<compile_context>
chip_gen: v7x
topology: tpu7x:2x2x1
jax: 0.10.2.dev20260603
libtpu: 0.0.44.dev20260713+nightly
codegen_flags: <defaults>
</compile_context>

<pallas_src>
import jax
import jax.numpy as jnp
from jax import lax
from jax.experimental import pallas as pl
from jax.experimental.pallas import tpu as pltpu
from jax.experimental.pallas import tpu_sc as plsc

N = 10000
E = 320000
DF = 128
DE = 16
G = 16
H1 = 256
O1 = 128
H2 = 256
O2 = 128

NC = 2
NS = 16
NW = NC * NS
ROWS_W = E // NW
GRP = 400
GROUPS = ROWS_W // GRP
C1 = 80
K1 = GRP // C1
C2 = 50
K2 = 4
GROUPS2 = ROWS_W // (C2 * K2)
KC = 8
NPAD = 10240

_MESH = dict(core_axis_name="c", subcore_axis_name="s")


def _sc_gather_body(x_hbm, snd_hbm, out_hbm, idx_a, idx_b, rows_a, rows_b,
                    sem_a, sem_b):
    c = lax.axis_index("c")
    s = lax.axis_index("s")
    wid = s * NC + c
    base = wid * ROWS_W

    def load_and_fire(g, idx_v, rows_v, sem):
        off = base + g * GRP
        pltpu.sync_copy(snd_hbm.at[pl.ds(off, GRP)], idx_v)
        for j in range(K1):
            pltpu.async_copy(
                x_hbm.at[idx_v.at[pl.ds(j * C1, C1)]],
                rows_v.at[pl.ds(j * C1, C1)], sem
            )

    def drain_and_store(g, rows_v, sem):
        pltpu.make_async_copy(out_hbm.at[pl.ds(0, GRP)], rows_v, sem).wait()
        pltpu.sync_copy(rows_v, out_hbm.at[pl.ds(base + g * GRP, GRP)])

    load_and_fire(0, idx_a, rows_a, sem_a)

    def pair(i, carry):
        g = 2 * i
        load_and_fire(g + 1, idx_b, rows_b, sem_b)
        drain_and_store(g, rows_a, sem_a)
        load_and_fire(g + 2, idx_a, rows_a, sem_a)
        drain_and_store(g + 1, rows_b, sem_b)
        return carry

    lax.fori_loop(0, (GROUPS - 1) // 2, pair, 0)
    drain_and_store(GROUPS - 1, rows_a, sem_a)


def _sc_gather(x, snd):
    kfn = pl.kernel(
        _sc_gather_body,
        out_type=jax.ShapeDtypeStruct((E, DF), jnp.float32),
        mesh=plsc.VectorSubcoreMesh(**_MESH),
        scratch_types=[
            pltpu.VMEM((GRP,), jnp.int32),
            pltpu.VMEM((GRP,), jnp.int32),
            pltpu.VMEM((GRP, DF), jnp.float32),
            pltpu.VMEM((GRP, DF), jnp.float32),
            pltpu.SemaphoreType.DMA,
            pltpu.SemaphoreType.DMA,
        ],
    )
    return kfn(x, snd)


def _sc_count_body(rcv2_hbm, zero16_hbm, ones_hbm, cnts_hbm,
                   idx_v, ones_v, cnt_sh, sem):
    c = lax.axis_index("c")
    s = lax.axis_index("s")
    wid = s * NC + c
    rows_per = NPAD // NS

    pltpu.sync_copy(zero16_hbm.at[pl.ds(s * rows_per, rows_per)],
                    cnt_sh.at[pl.ds(s * rows_per, rows_per)])
    pltpu.sync_copy(ones_hbm, ones_v)
    plsc.subcore_barrier()

    def group(g, carry):
        r0 = wid * (ROWS_W // C2) + g * KC
        pltpu.sync_copy(rcv2_hbm.at[pl.ds(r0, KC)], idx_v)
        for j in range(KC):
            pltpu.sync_copy(ones_v, cnt_sh.at[idx_v.at[j]], add=True)
        return carry

    lax.fori_loop(0, ROWS_W // (C2 * KC), group, 0)
    plsc.subcore_barrier()
    out0 = c * NPAD + s * rows_per
    pltpu.sync_copy(cnt_sh.at[pl.ds(s * rows_per, rows_per)],
                    cnts_hbm.at[pl.ds(out0, rows_per)])


def _sc_count(rcv2, zero16, ones16):
    kfn = pl.kernel(
        _sc_count_body,
        out_type=jax.ShapeDtypeStruct((NC * NPAD, CW), jnp.float32),
        mesh=plsc.VectorSubcoreMesh(**_MESH),
        scratch_types=[
            pltpu.VMEM((KC, C2), jnp.int32),
            pltpu.VMEM((C2, CW), jnp.float32),
            pltpu.VMEM_SHARED((NPAD, CW), jnp.float32),
            pltpu.SemaphoreType.DMA,
        ],
    )
    return kfn(rcv2, zero16, ones16)


BE = 2560


def _edge_mlp_body(gx_ref, ea_ref, w1a_ref, w1b_ref, b1_ref, w2_ref, b2_ref,
                   w3_ref, b3_ref, out_ref):
    bf = jnp.bfloat16
    h = jnp.dot(gx_ref[...].astype(bf), w1a_ref[...].astype(bf),
                preferred_element_type=jnp.float32)
    h = h + jnp.dot(ea_ref[...].astype(bf), w1b_ref[...].astype(bf),
                    preferred_element_type=jnp.float32)
    h = jnp.maximum(h + b1_ref[...], 0.0)
    h = jnp.dot(h.astype(bf), w2_ref[...].astype(bf),
                preferred_element_type=jnp.float32)
    h = jnp.maximum(h + b2_ref[...], 0.0)
    h = jnp.dot(h.astype(bf), w3_ref[...].astype(bf),
                preferred_element_type=jnp.float32)
    out_ref[...] = h + b3_ref[...]


def _edge_mlp(gx, ea, w1a, w1b, b1, w2, b2, w3, b3):
    nblk = E // BE
    full = lambda shape: pl.BlockSpec(shape, lambda i: (0, 0))
    return pl.pallas_call(
        _edge_mlp_body,
        grid=(nblk,),
        in_specs=[
            pl.BlockSpec((BE, DF), lambda i: (i, 0)),
            pl.BlockSpec((BE, DE), lambda i: (i, 0)),
            full((DF, H1)),
            full((DE, H1)),
            full((1, H1)),
            full((H1, H1)),
            full((1, H1)),
            full((H1, O1)),
            full((1, O1)),
        ],
        out_specs=pl.BlockSpec((BE, O1), lambda i: (i, 0)),
        out_shape=jax.ShapeDtypeStruct((E, O1), jnp.float32),
        compiler_params=pltpu.CompilerParams(
            dimension_semantics=("arbitrary",),
        ),
    )(gx, ea, w1a, w1b, b1, w2, b2, w3, b3)


CW = 128


def _sc_scatter_body(upd3_hbm, rcv2_hbm, zero_hbm, sums_hbm,
                     idx_v, rows_v, acc_sh, sem):
    c = lax.axis_index("c")
    s = lax.axis_index("s")
    wid = s * NC + c

    rows_per = NPAD // NS
    pltpu.sync_copy(zero_hbm.at[pl.ds(s * rows_per, rows_per)],
                    acc_sh.at[pl.ds(s * rows_per, rows_per)])
    plsc.subcore_barrier()

    def group(g, carry):
        r0 = wid * (ROWS_W // C2) + g * K2
        pltpu.sync_copy(rcv2_hbm.at[pl.ds(r0, K2)], idx_v)
        pltpu.sync_copy(upd3_hbm.at[pl.ds(r0, K2)], rows_v)
        for j in range(K2):
            pltpu.sync_copy(rows_v.at[j], acc_sh.at[idx_v.at[j]], add=True)
        return carry

    lax.fori_loop(0, GROUPS2, group, 0)
    plsc.subcore_barrier()

    out0 = (c * NPAD + s * rows_per)
    pltpu.sync_copy(acc_sh.at[pl.ds(s * rows_per, rows_per)],
                    sums_hbm.at[pl.ds(out0, rows_per)])


def _sc_scatter(upd3, rcv2, zero):
    kfn = pl.kernel(
        _sc_scatter_body,
        out_type=jax.ShapeDtypeStruct((NC * NPAD, O1), jnp.float32),
        mesh=plsc.VectorSubcoreMesh(**_MESH),
        scratch_types=[
            pltpu.VMEM((K2, C2), jnp.int32),
            pltpu.VMEM((K2, C2, O1), jnp.float32),
            pltpu.VMEM_SHARED((NPAD, O1), jnp.float32),
            pltpu.SemaphoreType.DMA,
        ],
    )
    return kfn(upd3, rcv2, zero)


BN = 2000


def _node_mlp_body(x_ref, ps_ref, cnt_ref, bf_ref, u_ref,
                   w4x_ref, w4o_ref, w4u_ref, b4_ref, w5_ref, b5_ref,
                   out_ref):
    sums = ps_ref[0] + ps_ref[1]
    cnt = cnt_ref[0, :, :1] + cnt_ref[1, :, :1]
    mean = sums / jnp.maximum(cnt, 1.0)
    gidx = lax.broadcasted_iota(jnp.int32, (1, G), 1).astype(jnp.float32)
    onehot = (bf_ref[...] == gidx).astype(jnp.float32)
    ub = jnp.sum(onehot * u_ref[...], axis=1, keepdims=True)
    h = jnp.dot(x_ref[...], w4x_ref[...], preferred_element_type=jnp.float32)
    h = h + jnp.dot(mean, w4o_ref[...], preferred_element_type=jnp.float32)
    h = jnp.maximum(h + ub * w4u_ref[...] + b4_ref[...], 0.0)
    h = jnp.dot(h, w5_ref[...], preferred_element_type=jnp.float32)
    out_ref[...] = h + b5_ref[...]


def _node_mlp(x, psums, pcnts, batchf, u2d, w4x, w4o, w4u, b4, w5, b5):
    nblk = N // BN
    full = lambda shape: pl.BlockSpec(shape, lambda i: tuple(0 for _ in shape))
    return pl.pallas_call(
        _node_mlp_body,
        grid=(nblk,),
        in_specs=[
            pl.BlockSpec((BN, DF), lambda i: (i, 0)),
            pl.BlockSpec((NC, BN, O1), lambda i: (0, i, 0)),
            pl.BlockSpec((NC, BN, CW), lambda i: (0, i, 0)),
            pl.BlockSpec((BN, 1), lambda i: (i, 0)),
            full((1, G)),
            full((DF, H2)),
            full((O1, H2)),
            full((1, H2)),
            full((1, H2)),
            full((H2, O2)),
            full((1, O2)),
        ],
        out_specs=pl.BlockSpec((BN, O2), lambda i: (i, 0)),
        out_shape=jax.ShapeDtypeStruct((N, O2), jnp.float32),
        compiler_params=pltpu.CompilerParams(
            dimension_semantics=("arbitrary",),
        ),
    )(x, psums, pcnts, batchf, u2d, w4x, w4o, w4u, b4, w5, b5)


def kernel(x, edge_index, edge_attr, u, batch, W1, b1, W2, b2, W3, b3,
           W4, b4, W5, b5):
    snd = edge_index[0]
    rcv2 = edge_index[1].reshape(E // C2, C2)

    zero16 = jnp.zeros((NPAD, CW), jnp.float32)
    ones16 = jnp.ones((C2, CW), jnp.float32)
    gx = _sc_gather(x, snd)
    pcnts = _sc_count(rcv2, zero16, ones16)

    upd = _edge_mlp(
        gx, edge_attr,
        W1[:DF], W1[DF:], b1.reshape(1, H1),
        W2, b2.reshape(1, H1),
        W3, b3.reshape(1, O1),
    )

    zero = jnp.zeros((NPAD, O1), jnp.float32)
    psums = _sc_scatter(upd.reshape(E // C2, C2, O1), rcv2, zero)

    out = _node_mlp(
        x, psums.reshape(NC, NPAD, O1), pcnts.reshape(NC, NPAD, CW),
        batch.astype(jnp.float32).reshape(N, 1),
        u.reshape(1, G),
        W4[:DF], W4[DF:DF + O1], W4[DF + O1:], b4.reshape(1, H2),
        W5, b5.reshape(1, O2),
    )
    return out

# --- scband reference (transcript-rebuilt; emitter-appended) ---
"""Pipeline reference for scband-node-model-6897717477416 (READ-ONLY COPY).

The authoritative reference and input builder live on the scoring server;
editing this copy changes nothing except your own understanding.
"""

import jax, jax.numpy as jnp
import numpy as np

N = 10000
E = 320000
DF = 128
DE = 16
G = 16
H1 = 256
O1 = 128
H2 = 256
O2 = 128
IN1 = DF + DE  # 144
IN2 = DF + O1 + 1  # 257


def _linear_params(key, fan_in, fan_out):
    k1, k2 = jax.random.split(key)
    bound = 1.0 / np.sqrt(fan_in)
    W = jax.random.uniform(k1, (fan_in, fan_out), minval=-bound, maxval=bound, dtype=jnp.float32)
    b = jax.random.uniform(k2, (fan_out,), minval=-bound, maxval=bound, dtype=jnp.float32)
    return W, b


def setup_inputs(seed: int = 0) -> dict:
    key = jax.random.key(seed)
    ks = jax.random.split(key, 12)
    x = jax.random.normal(ks[0], (N, DF), dtype=jnp.float32)
    edge_index = jax.random.randint(ks[1], (2, E), 0, N, dtype=jnp.int32)
    edge_attr = jax.random.normal(ks[2], (E, DE), dtype=jnp.float32)
    u = jax.random.normal(ks[3], (G,), dtype=jnp.float32)
    batch = jnp.sort(jax.random.randint(ks[4], (N,), 0, G, dtype=jnp.int32))
    W1, b1 = _linear_params(ks[5], IN1, H1)
    W2, b2 = _linear_params(ks[6], H1, H1)
    W3, b3 = _linear_params(ks[7], H1, O1)
    W4, b4 = _linear_params(ks[8], IN2, H2)
    W5, b5 = _linear_params(ks[9], H2, O2)
    return {"x": x, "edge_index": edge_index, "edge_attr": edge_attr, "u": u, "batch": batch,
            "W1": W1, "b1": b1, "W2": W2, "b2": b2, "W3": W3, "b3": b3,
            "W4": W4, "b4": b4, "W5": W5, "b5": b5}


def reference(x, edge_index, edge_attr, u, batch, W1, b1, W2, b2, W3, b3, W4, b4, W5, b5):
    snd = edge_index[0]
    rcv = edge_index[1]
    agg = jnp.concatenate([jnp.take(x, snd, axis=0), edge_attr], axis=1)
    h = jnp.maximum(agg @ W1 + b1, 0.0)
    h = jnp.maximum(h @ W2 + b2, 0.0)
    upd = h @ W3 + b3
    sums = jax.ops.segment_sum(upd, rcv, num_segments=x.shape[0])
    cnt = jax.ops.segment_sum(jnp.ones((upd.shape[0], 1), upd.dtype), rcv, num_segments=x.shape[0])
    out = sums / jnp.maximum(cnt, 1.0)
    u2 = u.reshape(-1, 1)
    agg2 = jnp.concatenate([x, out, jnp.take(u2, batch, axis=0)], axis=1)
    h2 = jnp.maximum(agg2 @ W4 + b4, 0.0)
    return h2 @ W5 + b5

if __name__ == "__main__":
    import jax
    _d = setup_inputs()
    print(jax.jit(kernel)(*tuple(_d.values())))

</pallas_src>

<mosaic_0001>
#map = affine_map<(d0, d1) -> (0, 0)>
module attributes {stable_mosaic.version = 14 : i64} {
  func.func @_sc_count_body(%arg0: i32, %arg1: i32, %arg2: memref<6400x50xi32, #tpu.memory_space<hbm>>, %arg3: memref<10240x128xf32, #tpu.memory_space<hbm>>, %arg4: memref<50x128xf32, #tpu.memory_space<hbm>>, %arg5: memref<20480x128xf32, #tpu.memory_space<hbm>>, %arg6: memref<8x50xi32, #tpu.memory_space<vmem>>, %arg7: memref<50x128xf32, #tpu.memory_space<vmem>>, %arg8: memref<10240x128xf32, #tpu.memory_space<vmem_shared>>, %arg9: memref<!tpu.dma_semaphore, #tpu.memory_space<semaphore_mem>>) attributes {dimension_semantics = [#tpu.dimension_semantics<core_parallel>, #tpu.dimension_semantics<subcore_parallel>], iteration_bounds = array<i64: 2, 16>, scalar_prefetch = 0 : i64, scratch_operands = 4 : i64, tpu.core_type = #tpu.core_type<sc_vector_subcore>, window_params = [{transform_indices = #map}, {transform_indices = #map}, {transform_indices = #map}, {transform_indices = #map}]} {
    %mul3A = arith.constant 2 : i32
    %mul3A_0 = arith.muli %arg1, %mul3A : i32
    %add3A = arith.addi %mul3A_0, %arg0 : i32
    %mul3A_1 = arith.constant 640 : i32
    %mul3A_2 = arith.muli %arg1, %mul3A_1 : i32
    %mul3A_3 = arith.constant 640 : i32
    %mul3A_4 = arith.muli %arg1, %mul3A_3 : i32
    "tpu.region"() ({
      %run_scoped3A = tpu.sem_alloc : memref<!tpu.dma_semaphore, #tpu.memory_space<semaphore_mem>>
      %dma_start3A = arith.constant 0 : i32
      %dma_start3A_18 = tpu.memref_slice %arg8[%mul3A_4, %dma_start3A] : memref<10240x128xf32, #tpu.memory_space<vmem_shared>> -> memref<640x128xf32, #tpu.memory_space<vmem_shared>>
      %dma_start3A_19 = arith.constant 0 : i32
      %dma_start3A_20 = tpu.memref_slice %arg3[%mul3A_2, %dma_start3A_19] : memref<10240x128xf32, #tpu.memory_space<hbm>> -> memref<640x128xf32, #tpu.memory_space<hbm>>
      tpu.enqueue_dma source(%dma_start3A_20 : memref<640x128xf32, #tpu.memory_space<hbm>>) target(%dma_start3A_18 : memref<640x128xf32, #tpu.memory_space<vmem_shared>>) target_semaphore(%run_scoped3A : memref<!tpu.dma_semaphore, #tpu.memory_space<semaphore_mem>>)
      %dma_wait3A = arith.constant 0 : i32
      %dma_wait3A_21 = tpu.memref_slice %arg8[%mul3A_4, %dma_wait3A] : memref<10240x128xf32, #tpu.memory_space<vmem_shared>> -> memref<640x128xf32, #tpu.memory_space<vmem_shared>>
      %dma_wait3A_22 = arith.constant 0 : i32
      %dma_wait3A_23 = tpu.memref_slice %arg3[%mul3A_2, %dma_wait3A_22] : memref<10240x128xf32, #tpu.memory_space<hbm>> -> memref<640x128xf32, #tpu.memory_space<hbm>>
      tpu.wait_dma2 semaphore(%run_scoped3A : memref<!tpu.dma_semaphore, #tpu.memory_space<semaphore_mem>>) src(%dma_wait3A_23 : memref<640x128xf32, #tpu.memory_space<hbm>>) dst(%dma_wait3A_21 : memref<640x128xf32, #tpu.memory_space<vmem_shared>>)
      tpu.yield
    }) : () -> ()
    "tpu.region"() ({
      %run_scoped3A = tpu.sem_alloc : memref<!tpu.dma_semaphore, #tpu.memory_space<semaphore_mem>>
      tpu.enqueue_dma source(%arg4 : memref<50x128xf32, #tpu.memory_space<hbm>>) target(%arg7 : memref<50x128xf32, #tpu.memory_space<vmem>>) target_semaphore(%run_scoped3A : memref<!tpu.dma_semaphore, #tpu.memory_space<semaphore_mem>>)
      tpu.wait_dma2 semaphore(%run_scoped3A : memref<!tpu.dma_semaphore, #tpu.memory_space<semaphore_mem>>) src(%arg4 : memref<50x128xf32, #tpu.memory_space<hbm>>) dst(%arg7 : memref<50x128xf32, #tpu.memory_space<vmem>>)
      tpu.yield
    }) : () -> ()
    %barrier3A = arith.constant 0 : index
    tpu.barrier barrier_id(%barrier3A)
    %scan3A = arith.constant 0 : i32
    %scan3A_5 = arith.constant 0 : i32
    %scan3A_6 = arith.constant 25 : i32
    %scan3A_7 = arith.addi %scan3A_5, %scan3A_6 : i32
    %scan3A_8 = arith.constant 1 : i32
    scf.for %scan3A_18 = %scan3A_5 to %scan3A_7 step %scan3A_8  : i32 {
      %mul3A_19 = arith.constant 200 : i32
      %mul3A_20 = arith.muli %add3A, %mul3A_19 : i32
      %mul3A_21 = arith.constant 8 : i32
      %mul3A_22 = arith.muli %scan3A_18, %mul3A_21 : i32
      %add3A_23 = arith.addi %mul3A_20, %mul3A_22 : i32
      "tpu.region"() ({
        %run_scoped3A_31 = tpu.sem_alloc : memref<!tpu.dma_semaphore, #tpu.memory_space<semaphore_mem>>
        %dma_start3A = arith.constant 0 : i32
        %dma_start3A_32 = tpu.memref_slice %arg2[%add3A_23, %dma_start3A] : memref<6400x50xi32, #tpu.memory_space<hbm>> -> memref<8x50xi32, #tpu.memory_space<hbm>>
        %dma_start3A_33 = arith.constant 0 : i32
        %dma_start3A_34 = tpu.memref_slice %arg2[%add3A_23, %dma_start3A_33] : memref<6400x50xi32, #tpu.memory_space<hbm>> -> memref<8x50xi32, #tpu.memory_space<hbm>>
        tpu.enqueue_dma source(%dma_start3A_34 : memref<8x50xi32, #tpu.memory_space<hbm>>) target(%arg6 : memref<8x50xi32, #tpu.memory_space<vmem>>) target_semaphore(%run_scoped3A_31 : memref<!tpu.dma_semaphore, #tpu.memory_space<semaphore_mem>>)
        %dma_wait3A = arith.constant 0 : i32
        %dma_wait3A_35 = tpu.memref_slice %arg2[%add3A_23, %dma_wait3A] : memref<6400x50xi32, #tpu.memory_space<hbm>> -> memref<8x50xi32, #tpu.memory_space<hbm>>
        %dma_wait3A_36 = arith.constant 0 : i32
        %dma_wait3A_37 = tpu.memref_slice %arg2[%add3A_23, %dma_wait3A_36] : memref<6400x50xi32, #tpu.memory_space<hbm>> -> memref<8x50xi32, #tpu.memory_space<hbm>>
        tpu.wait_dma2 semaphore(%run_scoped3A_31 : memref<!tpu.dma_semaphore, #tpu.memory_space<semaphore_mem>>) src(%dma_wait3A_37 : memref<8x50xi32, #tpu.memory_space<hbm>>) dst(%arg6 : memref<8x50xi32, #tpu.memory_space<vmem>>)
        tpu.yield
      }) : () -> ()
      %run_scoped3A = arith.constant 0 : i32
      "tpu.region"() ({
        %run_scoped3A_31 = tpu.sem_alloc : memref<!tpu.dma_semaphore, #tpu.memory_space<semaphore_mem>>
        %dma_start3A = arith.constant 0 : i32
        %dma_start3A_32 = tpu.memref_slice %arg6[%run_scoped3A, %dma_start3A] : memref<8x50xi32, #tpu.memory_space<vmem>> -> memref<1x50xi32, #tpu.memory_space<vmem>>
        %dma_start3A_33 = tpu.memref_squeeze %dma_start3A_32 : memref<1x50xi32, #tpu.memory_space<vmem>> -> memref<50xi32, #tpu.memory_space<vmem>>
        %dma_start3A_34 = arith.constant 0 : i32
        %dma_start3A_35 = arith.constant 0 : i32
        %dma_start3A_36 = tpu.memref_slice %arg8[%dma_start3A_34, %dma_start3A_35] : memref<10240x128xf32, #tpu.memory_space<vmem_shared>> -> memref<10240x128xf32, #tpu.memory_space<vmem_shared>>
        tpu.enqueue_indirect_dma source(%arg7 : memref<50x128xf32, #tpu.memory_space<vmem>>) target(%dma_start3A_36 : memref<10240x128xf32, #tpu.memory_space<vmem_shared>>) offsets(%dma_start3A_33 : memref<50xi32, #tpu.memory_space<vmem>>) semaphore(%run_scoped3A_31 : memref<!tpu.dma_semaphore, #tpu.memory_space<semaphore_mem>>) {add = true}
        %dma_wait3A = arith.constant 0 : i32
        %dma_wait3A_37 = tpu.memref_slice %arg6[%run_scoped3A, %dma_wait3A] : memref<8x50xi32, #tpu.memory_space<vmem>> -> memref<1x50xi32, #tpu.memory_space<vmem>>
        %dma_wait3A_38 = tpu.memref_squeeze %dma_wait3A_37 : memref<1x50xi32, #tpu.memory_space<vmem>> -> memref<50xi32, #tpu.memory_space<vmem>>
        %dma_wait3A_39 = arith.constant 0 : i32
        %dma_wait3A_40 = arith.constant 0 : i32
        %dma_wait3A_41 = tpu.memref_slice %arg8[%dma_wait3A_39, %dma_wait3A_40] : memref<10240x128xf32, #tpu.memory_space<vmem_shared>> -> memref<10240x128xf32, #tpu.memory_space<vmem_shared>>
        tpu.wait_indirect_dma semaphore(%run_scoped3A_31 : memref<!tpu.dma_semaphore, #tpu.memory_space<semaphore_mem>>) src(%arg7 : memref<50x128xf32, #tpu.memory_space<vmem>>) dst(%dma_wait3A_41 : memref<10240x128xf32, #tpu.memory_space<vmem_shared>>)
        tpu.yield
      }) : () -> ()
      %run_scoped3A_24 = arith.constant 1 : i32
      "tpu.region"() ({
        %run_scoped3A_31 = tpu.sem_alloc : memref<!tpu.dma_semaphore, #tpu.memory_space<semaphore_mem>>
        %dma_start3A = arith.constant 0 : i32
        %dma_start3A_32 = tpu.memref_slice %arg6[%run_scoped3A_24, %dma_start3A] : memref<8x50xi32, #tpu.memory_space<vmem>> -> memref<1x50xi32, #tpu.memory_space<vmem>>
        %dma_start3A_33 = tpu.memref_squeeze %dma_start3A_32 : memref<1x50xi32, #tpu.memory_space<vmem>> -> memref<50xi32, #tpu.memory_space<vmem>>
        %dma_start3A_34 = arith.constant 0 : i32
        %dma_start3A_35 = arith.constant 0 : i32
        %dma_start3A_36 = tpu.memref_slice %arg8[%dma_start3A_34, %dma_start3A_35] : memref<10240x128xf32, #tpu.memory_space<vmem_shared>> -> memref<10240x128xf32, #tpu.memory_space<vmem_shared>>
        tpu.enqueue_indirect_dma source(%arg7 : memref<50x128xf32, #tpu.memory_space<vmem>>) target(%dma_start3A_36 : memref<10240x128xf32, #tpu.memory_space<vmem_shared>>) offsets(%dma_start3A_33 : memref<50xi32, #tpu.memory_space<vmem>>) semaphore(%run_scoped3A_31 : memref<!tpu.dma_semaphore, #tpu.memory_space<semaphore_mem>>) {add = true}
        %dma_wait3A = arith.constant 0 : i32
        %dma_wait3A_37 = tpu.memref_slice %arg6[%run_scoped3A_24, %dma_wait3A] : memref<8x50xi32, #tpu.memory_space<vmem>> -> memref<1x50xi32, #tpu.memory_space<vmem>>
        %dma_wait3A_38 = tpu.memref_squeeze %dma_wait3A_37 : memref<1x50xi32, #tpu.memory_space<vmem>> -> memref<50xi32, #tpu.memory_space<vmem>>
        %dma_wait3A_39 = arith.constant 0 : i32
        %dma_wait3A_40 = arith.constant 0 : i32
        %dma_wait3A_41 = tpu.memref_slice %arg8[%dma_wait3A_39, %dma_wait3A_40] : memref<10240x128xf32, #tpu.memory_space<vmem_shared>> -> memref<10240x128xf32, #tpu.memory_space<vmem_shared>>
        tpu.wait_indirect_dma semaphore(%run_scoped3A_31 : memref<!tpu.dma_semaphore, #tpu.memory_space<semaphore_mem>>) src(%arg7 : memref<50x128xf32, #tpu.memory_space<vmem>>) dst(%dma_wait3A_41 : memref<10240x128xf32, #tpu.memory_space<vmem_shared>>)
        tpu.yield
      }) : () -> ()
      %run_scoped3A_25 = arith.constant 2 : i32
      "tpu.region"() ({
        %run_scoped3A_31 = tpu.sem_alloc : memref<!tpu.dma_semaphore, #tpu.memory_space<semaphore_mem>>
        %dma_start3A = arith.constant 0 : i32
        %dma_start3A_32 = tpu.memref_slice %arg6[%run_scoped3A_25, %dma_start3A] : memref<8x50xi32, #tpu.memory_space<vmem>> -> memref<1x50xi32, #tpu.memory_space<vmem>>
        %dma_start3A_33 = tpu.memref_squeeze %dma_start3A_32 : memref<1x50xi32, #tpu.memory_space<vmem>> -> memref<50xi32, #tpu.memory_space<vmem>>
        %dma_start3A_34 = arith.constant 0 : i32
        %dma_start3A_35 = arith.constant 0 : i32
        %dma_start3A_36 = tpu.memref_slice %arg8[%dma_start3A_34, %dma_start3A_35] : memref<10240x128xf32, #tpu.memory_space<vmem_shared>> -> memref<10240x128xf32, #tpu.memory_space<vmem_shared>>
        tpu.enqueue_indirect_dma source(%arg7 : memref<50x128xf32, #tpu.memory_space<vmem>>) target(%dma_start3A_36 : memref<10240x128xf32, #tpu.memory_space<vmem_shared>>) offsets(%dma_start3A_33 : memref<50xi32, #tpu.memory_space<vmem>>) semaphore(%run_scoped3A_31 : memref<!tpu.dma_semaphore, #tpu.memory_space<semaphore_mem>>) {add = true}
        %dma_wait3A = arith.constant 0 : i32
        %dma_wait3A_37 = tpu.memref_slice %arg6[%run_scoped3A_25, %dma_wait3A] : memref<8x50xi32, #tpu.memory_space<vmem>> -> memref<1x50xi32, #tpu.memory_space<vmem>>
        %dma_wait3A_38 = tpu.memref_squeeze %dma_wait3A_37 : memref<1x50xi32, #tpu.memory_space<vmem>> -> memref<50xi32, #tpu.memory_space<vmem>>
        %dma_wait3A_39 = arith.constant 0 : i32
        %dma_wait3A_40 = arith.constant 0 : i32
        %dma_wait3A_41 = tpu.memref_slice %arg8[%dma_wait3A_39, %dma_wait3A_40] : memref<10240x128xf32, #tpu.memory_space<vmem_shared>> -> memref<10240x128xf32, #tpu.memory_space<vmem_shared>>
        tpu.wait_indirect_dma semaphore(%run_scoped3A_31 : memref<!tpu.dma_semaphore, #tpu.memory_space<semaphore_mem>>) src(%arg7 : memref<50x128xf32, #tpu.memory_space<vmem>>) dst(%dma_wait3A_41 : memref<10240x128xf32, #tpu.memory_space<vmem_shared>>)
        tpu.yield
      }) : () -> ()
      %run_scoped3A_26 = arith.constant 3 : i32
      "tpu.region"() ({
        %run_scoped3A_31 = tpu.sem_alloc : memref<!tpu.dma_semaphore, #tpu.memory_space<semaphore_mem>>
        %dma_start3A = arith.constant 0 : i32
        %dma_start3A_32 = tpu.memref_slice %arg6[%run_scoped3A_26, %dma_start3A] : memref<8x50xi32, #tpu.memory_space<vmem>> -> memref<1x50xi32, #tpu.memory_space<vmem>>
        %dma_start3A_33 = tpu.memref_squeeze %dma_start3A_32 : memref<1x50xi32, #tpu.memory_space<vmem>> -> memref<50xi32, #tpu.memory_space<vmem>>
        %dma_start3A_34 = arith.constant 0 : i32
        %dma_start3A_35 = arith.constant 0 : i32
        %dma_start3A_36 = tpu.memref_slice %arg8[%dma_start3A_34, %dma_start3A_35] : memref<10240x128xf32, #tpu.memory_space<vmem_shared>> -> memref<10240x128xf32, #tpu.memory_space<vmem_shared>>
        tpu.enqueue_indirect_dma source(%arg7 : memref<50x128xf32, #tpu.memory_space<vmem>>) target(%dma_start3A_36 : memref<10240x128xf32, #tpu.memory_space<vmem_shared>>) offsets(%dma_start3A_33 : memref<50xi32, #tpu.memory_space<vmem>>) semaphore(%run_scoped3A_31 : memref<!tpu.dma_semaphore, #tpu.memory_space<semaphore_mem>>) {add = true}
        %dma_wait3A = arith.constant 0 : i32
        %dma_wait3A_37 = tpu.memref_slice %arg6[%run_scoped3A_26, %dma_wait3A] : memref<8x50xi32, #tpu.memory_space<vmem>> -> memref<1x50xi32, #tpu.memory_space<vmem>>
        %dma_wait3A_38 = tpu.memref_squeeze %dma_wait3A_37 : memref<1x50xi32, #tpu.memory_space<vmem>> -> memref<50xi32, #tpu.memory_space<vmem>>
        %dma_wait3A_39 = arith.constant 0 : i32
        %dma_wait3A_40 = arith.constant 0 : i32
        %dma_wait3A_41 = tpu.memref_slice %arg8[%dma_wait3A_39, %dma_wait3A_40] : memref<10240x128xf32, #tpu.memory_space<vmem_shared>> -> memref<10240x128xf32, #tpu.memory_space<vmem_shared>>
        tpu.wait_indirect_dma semaphore(%run_scoped3A_31 : memref<!tpu.dma_semaphore, #tpu.memory_space<semaphore_mem>>) src(%arg7 : memref<50x128xf32, #tpu.memory_space<vmem>>) dst(%dma_wait3A_41 : memref<10240x128xf32, #tpu.memory_space<vmem_shared>>)
        tpu.yield
      }) : () -> ()
      %run_scoped3A_27 = arith.constant 4 : i32
      "tpu.region"() ({
        %run_scoped3A_31 = tpu.sem_alloc : memref<!tpu.dma_semaphore, #tpu.memory_space<semaphore_mem>>
        %dma_start3A = arith.constant 0 : i32
        %dma_start3A_32 = tpu.memref_slice %arg6[%run_scoped3A_27, %dma_start3A] : memref<8x50xi32, #tpu.memory_space<vmem>> -> memref<1x50xi32, #tpu.memory_space<vmem>>
        %dma_start3A_33 = tpu.memref_squeeze %dma_start3A_32 : memref<1x50xi32, #tpu.memory_space<vmem>> -> memref<50xi32, #tpu.memory_space<vmem>>
        %dma_start3A_34 = arith.constant 0 : i32
        %dma_start3A_35 = arith.constant 0 : i32
        %dma_start3A_36 = tpu.memref_slice %arg8[%dma_start3A_34, %dma_start3A_35] : memref<10240x128xf32, #tpu.memory_space<vmem_shared>> -> memref<10240x128xf32, #tpu.memory_space<vmem_shared>>
        tpu.enqueue_indirect_dma source(%arg7 : memref<50x128xf32, #tpu.memory_space<vmem>>) target(%dma_start3A_36 : memref<10240x128xf32, #tpu.memory_space<vmem_shared>>) offsets(%dma_start3A_33 : memref<50xi32, #tpu.memory_space<vmem>>) semaphore(%run_scoped3A_31 : memref<!tpu.dma_semaphore, #tpu.memory_space<semaphore_mem>>) {add = true}
        %dma_wait3A = arith.constant 0 : i32
        %dma_wait3A_37 = tpu.memref_slice %arg6[%run_scoped3A_27, %dma_wait3A] : memref<8x50xi32, #tpu.memory_space<vmem>> -> memref<1x50xi32, #tpu.memory_space<vmem>>
        %dma_wait3A_38 = tpu.memref_squeeze %dma_wait3A_37 : memref<1x50xi32, #tpu.memory_space<vmem>> -> memref<50xi32, #tpu.memory_space<vmem>>
        %dma_wait3A_39 = arith.constant 0 : i32
        %dma_wait3A_40 = arith.constant 0 : i32
        %dma_wait3A_41 = tpu.memref_slice %arg8[%dma_wait3A_39, %dma_wait3A_40] : memref<10240x128xf32, #tpu.memory_space<vmem_shared>> -> memref<10240x128xf32, #tpu.memory_space<vmem_shared>>
        tpu.wait_indirect_dma semaphore(%run_scoped3A_31 : memref<!tpu.dma_semaphore, #tpu.memory_space<semaphore_mem>>) src(%arg7 : memref<50x128xf32, #tpu.memory_space<vmem>>) dst(%dma_wait3A_41 : memref<10240x128xf32, #tpu.memory_space<vmem_shared>>)
        tpu.yield
      }) : () -> ()
      %run_scoped3A_28 = arith.constant 5 : i32
      "tpu.region"() ({
        %run_scoped3A_31 = tpu.sem_alloc : memref<!tpu.dma_semaphore, #tpu.memory_space<semaphore_mem>>
        %dma_start3A = arith.constant 0 : i32
        %dma_start3A_32 = tpu.memref_slice %arg6[%run_scoped3A_28, %dma_start3A] : memref<8x50xi32, #tpu.memory_space<vmem>> -> memref<1x50xi32, #tpu.memory_space<vmem>>
        %dma_start3A_33 = tpu.memref_squeeze %dma_start3A_32 : memref<1x50xi32, #tpu.memory_space<vmem>> -> memref<50xi32, #tpu.memory_space<vmem>>
        %dma_start3A_34 = arith.constant 0 : i32
        %dma_start3A_35 = arith.constant 0 : i32
        %dma_start3A_36 = tpu.memref_slice %arg8[%dma_start3A_34, %dma_start3A_35] : memref<10240x128xf32, #tpu.memory_space<vmem_shared>> -> memref<10240x128xf32, #tpu.memory_space<vmem_shared>>
        tpu.enqueue_indirect_dma source(%arg7 : memref<50x128xf32, #tpu.memory_space<vmem>>) target(%dma_start3A_36 : memref<10240x128xf32, #tpu.memory_space<vmem_shared>>) offsets(%dma_start3A_33 : memref<50xi32, #tpu.memory_space<vmem>>) semaphore(%run_scoped3A_31 : memref<!tpu.dma_semaphore, #tpu.memory_space<semaphore_mem>>) {add = true}
        %dma_wait3A = arith.constant 0 : i32
        %dma_wait3A_37 = tpu.memref_slice %arg6[%run_scoped3A_28, %dma_wait3A] : memref<8x50xi32, #tpu.memory_space<vmem>> -> memref<1x50xi32, #tpu.memory_space<vmem>>
        %dma_wait3A_38 = tpu.memref_squeeze %dma_wait3A_37 : memref<1x50xi32, #tpu.memory_space<vmem>> -> memref<50xi32, #tpu.memory_space<vmem>>
        %dma_wait3A_39 = arith.constant 0 : i32
        %dma_wait3A_40 = arith.constant 0 : i32
        %dma_wait3A_41 = tpu.memref_slice %arg8[%dma_wait3A_39, %dma_wait3A_40] : memref<10240x128xf32, #tpu.memory_space<vmem_shared>> -> memref<10240x128xf32, #tpu.memory_space<vmem_shared>>
        tpu.wait_indirect_dma semaphore(%run_scoped3A_31 : memref<!tpu.dma_semaphore, #tpu.memory_space<semaphore_mem>>) src(%arg7 : memref<50x128xf32, #tpu.memory_space<vmem>>) dst(%dma_wait3A_41 : memref<10240x128xf32, #tpu.memory_space<vmem_shared>>)
        tpu.yield
      }) : () -> ()
      %run_scoped3A_29 = arith.constant 6 : i32
      "tpu.region"() ({
        %run_scoped3A_31 = tpu.sem_alloc : memref<!tpu.dma_semaphore, #tpu.memory_space<semaphore_mem>>
        %dma_start3A = arith.constant 0 : i32
        %dma_start3A_32 = tpu.memref_slice %arg6[%run_scoped3A_29, %dma_start3A] : memref<8x50xi32, #tpu.memory_space<vmem>> -> memref<1x50xi32, #tpu.memory_space<vmem>>
        %dma_start3A_33 = tpu.memref_squeeze %dma_start3A_32 : memref<1x50xi32, #tpu.memory_space<vmem>> -> memref<50xi32, #tpu.memory_space<vmem>>
        %dma_start3A_34 = arith.constant 0 : i32
        %dma_start3A_35 = arith.constant 0 : i32
        %dma_start3A_36 = tpu.memref_slice %arg8[%dma_start3A_34, %dma_start3A_35] : memref<10240x128xf32, #tpu.memory_space<vmem_shared>> -> memref<10240x128xf32, #tpu.memory_space<vmem_shared>>
        tpu.enqueue_indirect_dma source(%arg7 : memref<50x128xf32, #tpu.memory_space<vmem>>) target(%dma_start3A_36 : memref<10240x128xf32, #tpu.memory_space<vmem_shared>>) offsets(%dma_start3A_33 : memref<50xi32, #tpu.memory_space<vmem>>) semaphore(%run_scoped3A_31 : memref<!tpu.dma_semaphore, #tpu.memory_space<semaphore_mem>>) {add = true}
        %dma_wait3A = arith.constant 0 : i32
        %dma_wait3A_37 = tpu.memref_slice %arg6[%run_scoped3A_29, %dma_wait3A] : memref<8x50xi32, #tpu.memory_space<vmem>> -> memref<1x50xi32, #tpu.memory_space<vmem>>
        %dma_wait3A_38 = tpu.memref_squeeze %dma_wait3A_37 : memref<1x50xi32, #tpu.memory_space<vmem>> -> memref<50xi32, #tpu.memory_space<vmem>>
        %dma_wait3A_39 = arith.constant 0 : i32
        %dma_wait3A_40 = arith.constant 0 : i32
        %dma_wait3A_41 = tpu.memref_slice %arg8[%dma_wait3A_39, %dma_wait3A_40] : memref<10240x128xf32, #tpu.memory_space<vmem_shared>> -> memref<10240x128xf32, #tpu.memory_space<vmem_shared>>
        tpu.wait_indirect_dma semaphore(%run_scoped3A_31 : memref<!tpu.dma_semaphore, #tpu.memory_space<semaphore_mem>>) src(%arg7 : memref<50x128xf32, #tpu.memory_space<vmem>>) dst(%dma_wait3A_41 : memref<10240x128xf32, #tpu.memory_space<vmem_shared>>)
        tpu.yield
      }) : () -> ()
      %run_scoped3A_30 = arith.constant 7 : i32
      "tpu.region"() ({
        %run_scoped3A_31 = tpu.sem_alloc : memref<!tpu.dma_semaphore, #tpu.memory_space<semaphore_mem>>
        %dma_start3A = arith.constant 0 : i32
        %dma_start3A_32 = tpu.memref_slice %arg6[%run_scoped3A_30, %dma_start3A] : memref<8x50xi32, #tpu.memory_space<vmem>> -> memref<1x50xi32, #tpu.memory_space<vmem>>
        %dma_start3A_33 = tpu.memref_squeeze %dma_start3A_32 : memref<1x50xi32, #tpu.memory_space<vmem>> -> memref<50xi32, #tpu.memory_space<vmem>>
        %dma_start3A_34 = arith.constant 0 : i32
        %dma_start3A_35 = arith.constant 0 : i32
        %dma_start3A_36 = tpu.memref_slice %arg8[%dma_start3A_34, %dma_start3A_35] : memref<10240x128xf32, #tpu.memory_space<vmem_shared>> -> memref<10240x128xf32, #tpu.memory_space<vmem_shared>>
        tpu.enqueue_indirect_dma source(%arg7 : memref<50x128xf32, #tpu.memory_space<vmem>>) target(%dma_start3A_36 : memref<10240x128xf32, #tpu.memory_space<vmem_shared>>) offsets(%dma_start3A_33 : memref<50xi32, #tpu.memory_space<vmem>>) semaphore(%run_scoped3A_31 : memref<!tpu.dma_semaphore, #tpu.memory_space<semaphore_mem>>) {add = true}
        %dma_wait3A = arith.constant 0 : i32
        %dma_wait3A_37 = tpu.memref_slice %arg6[%run_scoped3A_30, %dma_wait3A] : memref<8x50xi32, #tpu.memory_space<vmem>> -> memref<1x50xi32, #tpu.memory_space<vmem>>
        %dma_wait3A_38 = tpu.memref_squeeze %dma_wait3A_37 : memref<1x50xi32, #tpu.memory_space<vmem>> -> memref<50xi32, #tpu.memory_space<vmem>>
        %dma_wait3A_39 = arith.constant 0 : i32
        %dma_wait3A_40 = arith.constant 0 : i32
        %dma_wait3A_41 = tpu.memref_slice %arg8[%dma_wait3A_39, %dma_wait3A_40] : memref<10240x128xf32, #tpu.memory_space<vmem_shared>> -> memref<10240x128xf32, #tpu.memory_space<vmem_shared>>
        tpu.wait_indirect_dma semaphore(%run_scoped3A_31 : memref<!tpu.dma_semaphore, #tpu.memory_space<semaphore_mem>>) src(%arg7 : memref<50x128xf32, #tpu.memory_space<vmem>>) dst(%dma_wait3A_41 : memref<10240x128xf32, #tpu.memory_space<vmem_shared>>)
        tpu.yield
      }) : () -> ()
    }
    %scan3A_9 = arith.constant 25 : i32
    %barrier3A_10 = arith.constant 0 : index
    tpu.barrier barrier_id(%barrier3A_10)
    %mul3A_11 = arith.constant 10240 : i32
    %mul3A_12 = arith.muli %arg0, %mul3A_11 : i32
    %mul3A_13 = arith.constant 640 : i32
    %mul3A_14 = arith.muli %arg1, %mul3A_13 : i32
    %add3A_15 = arith.addi %mul3A_12, %mul3A_14 : i32
    %mul3A_16 = arith.constant 640 : i32
    %mul3A_17 = arith.muli %arg1, %mul3A_16 : i32
    "tpu.region"() ({
      %run_scoped3A = tpu.sem_alloc : memref<!tpu.dma_semaphore, #tpu.memory_space<semaphore_mem>>
      %dma_start3A = arith.constant 0 : i32
      %dma_start3A_18 = tpu.memref_slice %arg5[%add3A_15, %dma_start3A] : memref<20480x128xf32, #tpu.memory_space<hbm>> -> memref<640x128xf32, #tpu.memory_space<hbm>>
      %dma_start3A_19 = arith.constant 0 : i32
      %dma_start3A_20 = tpu.memref_slice %arg8[%mul3A_17, %dma_start3A_19] : memref<10240x128xf32, #tpu.memory_space<vmem_shared>> -> memref<640x128xf32, #tpu.memory_space<vmem_shared>>
      tpu.enqueue_dma source(%dma_start3A_20 : memref<640x128xf32, #tpu.memory_space<vmem_shared>>) target(%dma_start3A_18 : memref<640x128xf32, #tpu.memory_space<hbm>>) target_semaphore(%run_scoped3A : memref<!tpu.dma_semaphore, #tpu.memory_space<semaphore_mem>>)
      %dma_wait3A = arith.constant 0 : i32
      %dma_wait3A_21 = tpu.memref_slice %arg5[%add3A_15, %dma_wait3A] : memref<20480x128xf32, #tpu.memory_space<hbm>> -> memref<640x128xf32, #tpu.memory_space<hbm>>
      %dma_wait3A_22 = arith.constant 0 : i32
      %dma_wait3A_23 = tpu.memref_slice %arg8[%mul3A_17, %dma_wait3A_22] : memref<10240x128xf32, #tpu.memory_space<vmem_shared>> -> memref<640x128xf32, #tpu.memory_space<vmem_shared>>
      tpu.wait_dma2 semaphore(%run_scoped3A : memref<!tpu.dma_semaphore, #tpu.memory_space<semaphore_mem>>) src(%dma_wait3A_23 : memref<640x128xf32, #tpu.memory_space<vmem_shared>>) dst(%dma_wait3A_21 : memref<640x128xf32, #tpu.memory_space<hbm>>)
      tpu.yield
    }) : () -> ()
    return
  }
}

#map = affine_map<(d0, d1) -> (0, 0)>
#map1 = affine_map<(d0, d1) -> (0)>
module attributes {stable_mosaic.version = 14 : i64} {
  func.func @_sc_gather_body(%arg0: i32, %arg1: i32, %arg2: memref<10000x128xf32, #tpu.memory_space<hbm>>, %arg3: memref<320000xi32, #tpu.memory_space<hbm>>, %arg4: memref<320000x128xf32, #tpu.memory_space<hbm>>, %arg5: memref<400xi32, #tpu.memory_space<vmem>>, %arg6: memref<400xi32, #tpu.memory_space<vmem>>, %arg7: memref<400x128xf32, #tpu.memory_space<vmem>>, %arg8: memref<400x128xf32, #tpu.memory_space<vmem>>, %arg9: memref<!tpu.dma_semaphore, #tpu.memory_space<semaphore_mem>>, %arg10: memref<!tpu.dma_semaphore, #tpu.memory_space<semaphore_mem>>) attributes {dimension_semantics = [#tpu.dimension_semantics<core_parallel>, #tpu.dimension_semantics<subcore_parallel>], iteration_bounds = array<i64: 2, 16>, scalar_prefetch = 0 : i64, scratch_operands = 6 : i64, tpu.core_type = #tpu.core_type<sc_vector_subcore>, window_params = [{transform_indices = #map}, {transform_indices = #map1}, {transform_indices = #map}]} {
    %mul3A = arith.constant 2 : i32
    %mul3A_0 = arith.muli %arg1, %mul3A : i32
    %add3A = arith.addi %mul3A_0, %arg0 : i32
    %mul3A_1 = arith.constant 10000 : i32
    %mul3A_2 = arith.muli %add3A, %mul3A_1 : i32
    %add3A_3 = arith.constant 0 : i32
    %add3A_4 = arith.addi %mul3A_2, %add3A_3 : i32
    "tpu.region"() ({
      %run_scoped3A = tpu.sem_alloc : memref<!tpu.dma_semaphore, #tpu.memory_space<semaphore_mem>>
      %dma_start3A_56 = tpu.memref_slice %arg3[%add3A_4] : memref<320000xi32, #tpu.memory_space<hbm>> -> memref<400xi32, #tpu.memory_space<hbm>>
      %dma_start3A_57 = tpu.memref_slice %arg3[%add3A_4] : memref<320000xi32, #tpu.memory_space<hbm>> -> memref<400xi32, #tpu.memory_space<hbm>>
      tpu.enqueue_dma source(%dma_start3A_57 : memref<400xi32, #tpu.memory_space<hbm>>) target(%arg5 : memref<400xi32, #tpu.memory_space<vmem>>) target_semaphore(%run_scoped3A : memref<!tpu.dma_semaphore, #tpu.memory_space<semaphore_mem>>)
      %dma_wait3A_58 = tpu.memref_slice %arg3[%add3A_4] : memref<320000xi32, #tpu.memory_space<hbm>> -> memref<400xi32, #tpu.memory_space<hbm>>
      %dma_wait3A_59 = tpu.memref_slice %arg3[%add3A_4] : memref<320000xi32, #tpu.memory_space<hbm>> -> memref<400xi32, #tpu.memory_space<hbm>>
      tpu.wait_dma2 semaphore(%run_scoped3A : memref<!tpu.dma_semaphore, #tpu.memory_space<semaphore_mem>>) src(%dma_wait3A_59 : memref<400xi32, #tpu.memory_space<hbm>>) dst(%arg5 : memref<400xi32, #tpu.memory_space<vmem>>)
      tpu.yield
    }) : () -> ()
    %dma_start3A = arith.constant 0 : i32
    %dma_start3A_5 = arith.constant 0 : i32
    %dma_start3A_6 = tpu.memref_slice %arg7[%dma_start3A, %dma_start3A_5] : memref<400x128xf32, #tpu.memory_space<vmem>> -> memref<80x128xf32, #tpu.memory_space<vmem>>
    %dma_start3A_7 = arith.constant 0 : i32
    %dma_start3A_8 = tpu.memref_slice %arg5[%dma_start3A_7] : memref<400xi32, #tpu.memory_space<vmem>> -> memref<80xi32, #tpu.memory_space<vmem>>
    %dma_start3A_9 = arith.constant 0 : i32
    %dma_start3A_10 = arith.constant 0 : i32
    %dma_start3A_11 = tpu.memref_slice %arg2[%dma_start3A_9, %dma_start3A_10] : memref<10000x128xf32, #tpu.memory_space<hbm>> -> memref<10000x128xf32, #tpu.memory_space<hbm>>
    tpu.enqueue_indirect_dma source(%dma_start3A_11 : memref<10000x128xf32, #tpu.memory_space<hbm>>) target(%dma_start3A_6 : memref<80x128xf32, #tpu.memory_space<vmem>>) offsets(%dma_start3A_8 : memref<80xi32, #tpu.memory_space<vmem>>) semaphore(%arg9 : memref<!tpu.dma_semaphore, #tpu.memory_space<semaphore_mem>>)
    %dma_start3A_12 = arith.constant 80 : i32
    %dma_start3A_13 = arith.constant 0 : i32
    %dma_start3A_14 = tpu.memref_slice %arg7[%dma_start3A_12, %dma_start3A_13] : memref<400x128xf32, #tpu.memory_space<vmem>> -> memref<80x128xf32, #tpu.memory_space<vmem>>
    %dma_start3A_15 = arith.constant 80 : i32
    %dma_start3A_16 = tpu.memref_slice %arg5[%dma_start3A_15] : memref<400xi32, #tpu.memory_space<vmem>> -> memref<80xi32, #tpu.memory_space<vmem>>
    %dma_start3A_17 = arith.constant 0 : i32
    %dma_start3A_18 = arith.constant 0 : i32
    %dma_start3A_19 = tpu.memref_slice %arg2[%dma_start3A_17, %dma_start3A_18] : memref<10000x128xf32, #tpu.memory_space<hbm>> -> memref<10000x128xf32, #tpu.memory_space<hbm>>
    tpu.enqueue_indirect_dma source(%dma_start3A_19 : memref<10000x128xf32, #tpu.memory_space<hbm>>) target(%dma_start3A_14 : memref<80x128xf32, #tpu.memory_space<vmem>>) offsets(%dma_start3A_16 : memref<80xi32, #tpu.memory_space<vmem>>) semaphore(%arg9 : memref<!tpu.dma_semaphore, #tpu.memory_space<semaphore_mem>>)
    %dma_start3A_20 = arith.constant 160 : i32
    %dma_start3A_21 = arith.constant 0 : i32
    %dma_start3A_22 = tpu.memref_slice %arg7[%dma_start3A_20, %dma_start3A_21] : memref<400x128xf32, #tpu.memory_space<vmem>> -> memref<80x128xf32, #tpu.memory_space<vmem>>
    %dma_start3A_23 = arith.constant 160 : i32
    %dma_start3A_24 = tpu.memref_slice %arg5[%dma_start3A_23] : memref<400xi32, #tpu.memory_space<vmem>> -> memref<80xi32, #tpu.memory_space<vmem>>
    %dma_start3A_25 = arith.constant 0 : i32
    %dma_start3A_26 = arith.constant 0 : i32
    %dma_start3A_27 = tpu.memref_slice %arg2[%dma_start3A_25, %dma_start3A_26] : memref<10000x128xf32, #tpu.memory_space<hbm>> -> memref<10000x128xf32, #tpu.memory_space<hbm>>
    tpu.enqueue_indirect_dma source(%dma_start3A_27 : memref<10000x128xf32, #tpu.memory_space<hbm>>) target(%dma_start3A_22 : memref<80x128xf32, #tpu.memory_space<vmem>>) offsets(%dma_start3A_24 : memref<80xi32, #tpu.memory_space<vmem>>) semaphore(%arg9 : memref<!tpu.dma_semaphore, #tpu.memory_space<semaphore_mem>>)
    %dma_start3A_28 = arith.constant 240 : i32
    %dma_start3A_29 = arith.constant 0 : i32
    %dma_start3A_30 = tpu.memref_slice %arg7[%dma_start3A_28, %dma_start3A_29] : memref<400x128xf32, #tpu.memory_space<vmem>> -> memref<80x128xf32, #tpu.memory_space<vmem>>
    %dma_start3A_31 = arith.constant 240 : i32
    %dma_start3A_32 = tpu.memref_slice %arg5[%dma_start3A_31] : memref<400xi32, #tpu.memory_space<vmem>> -> memref<80xi32, #tpu.memory_space<vmem>>
    %dma_start3A_33 = arith.constant 0 : i32
    %dma_start3A_34 = arith.constant 0 : i32
    %dma_start3A_35 = tpu.memref_slice %arg2[%dma_start3A_33, %dma_start3A_34] : memref<10000x128xf32, #tpu.memory_space<hbm>> -> memref<10000x128xf32, #tpu.memory_space<hbm>>
    tpu.enqueue_indirect_dma source(%dma_start3A_35 : memref<10000x128xf32, #tpu.memory_space<hbm>>) target(%dma_start3A_30 : memref<80x128xf32, #tpu.memory_space<vmem>>) offsets(%dma_start3A_32 : memref<80xi32, #tpu.memory_space<vmem>>) semaphore(%arg9 : memref<!tpu.dma_semaphore, #tpu.memory_space<semaphore_mem>>)
    %dma_start3A_36 = arith.constant 320 : i32
    %dma_start3A_37 = arith.constant 0 : i32
    %dma_start3A_38 = tpu.memref_slice %arg7[%dma_start3A_36, %dma_start3A_37] : memref<400x128xf32, #tpu.memory_space<vmem>> -> memref<80x128xf32, #tpu.memory_space<vmem>>
    %dma_start3A_39 = arith.constant 320 : i32
    %dma_start3A_40 = tpu.memref_slice %arg5[%dma_start3A_39] : memref<400xi32, #tpu.memory_space<vmem>> -> memref<80xi32, #tpu.memory_space<vmem>>
    %dma_start3A_41 = arith.constant 0 : i32
    %dma_start3A_42 = arith.constant 0 : i32
    %dma_start3A_43 = tpu.memref_slice %arg2[%dma_start3A_41, %dma_start3A_42] : memref<10000x128xf32, #tpu.memory_space<hbm>> -> memref<10000x128xf32, #tpu.memory_space<hbm>>
    tpu.enqueue_indirect_dma source(%dma_start3A_43 : memref<10000x128xf32, #tpu.memory_space<hbm>>) target(%dma_start3A_38 : memref<80x128xf32, #tpu.memory_space<vmem>>) offsets(%dma_start3A_40 : memref<80xi32, #tpu.memory_space<vmem>>) semaphore(%arg9 : memref<!tpu.dma_semaphore, #tpu.memory_space<semaphore_mem>>)
    %scan3A = arith.constant 0 : i32
    %scan3A_44 = arith.constant 0 : i32
    %scan3A_45 = arith.constant 12 : i32
    %scan3A_46 = arith.addi %scan3A_44, %scan3A_45 : i32
    %scan3A_47 = arith.constant 1 : i32
    scf.for %scan3A_56 = %scan3A_44 to %scan3A_46 step %scan3A_47  : i32 {
      %mul3A_57 = arith.constant 2 : i32
      %mul3A_58 = arith.muli %mul3A_57, %scan3A_56 : i32
      %add3A_59 = arith.constant 1 : i32
      %add3A_60 = arith.addi %mul3A_58, %add3A_59 : i32
      %mul3A_61 = arith.constant 400 : i32
      %mul3A_62 = arith.muli %add3A_60, %mul3A_61 : i32
      %add3A_63 = arith.addi %mul3A_2, %mul3A_62 : i32
      "tpu.region"() ({
        %run_scoped3A = tpu.sem_alloc : memref<!tpu.dma_semaphore, #tpu.memory_space<semaphore_mem>>
        %dma_start3A_169 = tpu.memref_slice %arg3[%add3A_63] : memref<320000xi32, #tpu.memory_space<hbm>> -> memref<400xi32, #tpu.memory_space<hbm>>
        %dma_start3A_170 = tpu.memref_slice %arg3[%add3A_63] : memref<320000xi32, #tpu.memory_space<hbm>> -> memref<400xi32, #tpu.memory_space<hbm>>
        tpu.enqueue_dma source(%dma_start3A_170 : memref<400xi32, #tpu.memory_space<hbm>>) target(%arg6 : memref<400xi32, #tpu.memory_space<vmem>>) target_semaphore(%run_scoped3A : memref<!tpu.dma_semaphore, #tpu.memory_space<semaphore_mem>>)
        %dma_wait3A_171 = tpu.memref_slice %arg3[%add3A_63] : memref<320000xi32, #tpu.memory_space<hbm>> -> memref<400xi32, #tpu.memory_space<hbm>>
        %dma_wait3A_172 = tpu.memref_slice %arg3[%add3A_63] : memref<320000xi32, #tpu.memory_space<hbm>> -> memref<400xi32, #tpu.memory_space<hbm>>
        tpu.wait_dma2 semaphore(%run_scoped3A : memref<!tpu.dma_semaphore, #tpu.memory_space<semaphore_mem>>) src(%dma_wait3A_172 : memref<400xi32, #tpu.memory_space<hbm>>) dst(%arg6 : memref<400xi32, #tpu.memory_space<vmem>>)
        tpu.yield
      }) : () -> ()
      %dma_start3A_64 = arith.constant 0 : i32
      %dma_start3A_65 = arith.constant 0 : i32
      %dma_start3A_66 = tpu.memref_slice %arg8[%dma_start3A_64, %dma_start3A_65] : memref<400x128xf32, #tpu.memory_space<vmem>> -> memref<80x128xf32, #tpu.memory_space<vmem>>
      %dma_start3A_67 = arith.constant 0 : i32
      %dma_start3A_68 = tpu.memref_slice %arg6[%dma_start3A_67] : memref<400xi32, #tpu.memory_space<vmem>> -> memref<80xi32, #tpu.memory_space<vmem>>
      %dma_start3A_69 = arith.constant 0 : i32
      %dma_start3A_70 = arith.constant 0 : i32
      %dma_start3A_71 = tpu.memref_slice %arg2[%dma_start3A_69, %dma_start3A_70] : memref<10000x128xf32, #tpu.memory_space<hbm>> -> memref<10000x128xf32, #tpu.memory_space<hbm>>
      tpu.enqueue_indirect_dma source(%dma_start3A_71 : memref<10000x128xf32, #tpu.memory_space<hbm>>) target(%dma_start3A_66 : memref<80x128xf32, #tpu.memory_space<vmem>>) offsets(%dma_start3A_68 : memref<80xi32, #tpu.memory_space<vmem>>) semaphore(%arg10 : memref<!tpu.dma_semaphore, #tpu.memory_space<semaphore_mem>>)
      %dma_start3A_72 = arith.constant 80 : i32
      %dma_start3A_73 = arith.constant 0 : i32
      %dma_start3A_74 = tpu.memref_slice %arg8[%dma_start3A_72, %dma_start3A_73] : memref<400x128xf32, #tpu.memory_space<vmem>> -> memref<80x128xf32, #tpu.memory_space<vmem>>
      %dma_start3A_75 = arith.constant 80 : i32
      %dma_start3A_76 = tpu.memref_slice %arg6[%dma_start3A_75] : memref<400xi32, #tpu.memory_space<vmem>> -> memref<80xi32, #tpu.memory_space<vmem>>
      %dma_start3A_77 = arith.constant 0 : i32
      %dma_start3A_78 = arith.constant 0 : i32
      %dma_start3A_79 = tpu.memref_slice %arg2[%dma_start3A_77, %dma_start3A_78] : memref<10000x128xf32, #tpu.memory_space<hbm>> -> memref<10000x128xf32, #tpu.memory_space<hbm>>
      tpu.enqueue_indirect_dma source(%dma_start3A_79 : memref<10000x128xf32, #tpu.memory_space<hbm>>) target(%dma_start3A_74 : memref<80x128xf32, #tpu.memory_space<vmem>>) offsets(%dma_start3A_76 : memref<80xi32, #tpu.memory_space<vmem>>) semaphore(%arg10 : memref<!tpu.dma_semaphore, #tpu.memory_space<semaphore_mem>>)
      %dma_start3A_80 = arith.constant 160 : i32
      %dma_start3A_81 = arith.constant 0 : i32
      %dma_start3A_82 = tpu.memref_slice %arg8[%dma_start3A_80, %dma_start3A_81] : memref<400x128xf32, #tpu.memory_space<vmem>> -> memref<80x128xf32, #tpu.memory_space<vmem>>
      %dma_start3A_83 = arith.constant 160 : i32
      %dma_start3A_84 = tpu.memref_slice %arg6[%dma_start3A_83] : memref<400xi32, #tpu.memory_space<vmem>> -> memref<80xi32, #tpu.memory_space<vmem>>
      %dma_start3A_85 = arith.constant 0 : i32
      %dma_start3A_86 = arith.constant 0 : i32
      %dma_start3A_87 = tpu.memref_slice %arg2[%dma_start3A_85, %dma_start3A_86] : memref<10000x128xf32, #tpu.memory_space<hbm>> -> memref<10000x128xf32, #tpu.memory_space<hbm>>
      tpu.enqueue_indirect_dma source(%dma_start3A_87 : memref<10000x128xf32, #tpu.memory_space<hbm>>) target(%dma_start3A_82 : memref<80x128xf32, #tpu.memory_space<vmem>>) offsets(%dma_start3A_84 : memref<80xi32, #tpu.memory_space<vmem>>) semaphore(%arg10 : memref<!tpu.dma_semaphore, #tpu.memory_space<semaphore_mem>>)
      %dma_start3A_88 = arith.constant 240 : i32
      %dma_start3A_89 = arith.constant 0 : i32
      %dma_start3A_90 = tpu.memref_slice %arg8[%dma_start3A_88, %dma_start3A_89] : memref<400x128xf32, #tpu.memory_space<vmem>> -> memref<80x128xf32, #tpu.memory_space<vmem>>
      %dma_start3A_91 = arith.constant 240 : i32
      %dma_start3A_92 = tpu.memref_slice %arg6[%dma_start3A_91] : memref<400xi32, #tpu.memory_space<vmem>> -> memref<80xi32, #tpu.memory_space<vmem>>
      %dma_start3A_93 = arith.constant 0 : i32
      %dma_start3A_94 = arith.constant 0 : i32
      %dma_start3A_95 = tpu.memref_slice %arg2[%dma_start3A_93, %dma_start3A_94] : memref<10000x128xf32, #tpu.memory_space<hbm>> -> memref<10000x128xf32, #tpu.memory_space<hbm>>
      tpu.enqueue_indirect_dma source(%dma_start3A_95 : memref<10000x128xf32, #tpu.memory_space<hbm>>) target(%dma_start3A_90 : memref<80x128xf32, #tpu.memory_space<vmem>>) offsets(%dma_start3A_92 : memref<80xi32, #tpu.memory_space<vmem>>) semaphore(%arg10 : memref<!tpu.dma_semaphore, #tpu.memory_space<semaphore_mem>>)
      %dma_start3A_96 = arith.constant 320 : i32
      %dma_start3A_97 = arith.constant 0 : i32
      %dma_start3A_98 = tpu.memref_slice %arg8[%dma_start3A_96, %dma_start3A_97] : memref<400x128xf32, #tpu.memory_space<vmem>> -> memref<80x128xf32, #tpu.memory_space<vmem>>
      %dma_start3A_99 = arith.constant 320 : i32
      %dma_start3A_100 = tpu.memref_slice %arg6[%dma_start3A_99] : memref<400xi32, #tpu.memory_space<vmem>> -> memref<80xi32, #tpu.memory_space<vmem>>
      %dma_start3A_101 = arith.constant 0 : i32
      %dma_start3A_102 = arith.constant 0 : i32
      %dma_start3A_103 = tpu.memref_slice %arg2[%dma_start3A_101, %dma_start3A_102] : memref<10000x128xf32, #tpu.memory_space<hbm>> -> memref<10000x128xf32, #tpu.memory_space<hbm>>
      tpu.enqueue_indirect_dma source(%dma_start3A_103 : memref<10000x128xf32, #tpu.memory_space<hbm>>) target(%dma_start3A_98 : memref<80x128xf32, #tpu.memory_space<vmem>>) offsets(%dma_start3A_100 : memref<80xi32, #tpu.memory_space<vmem>>) semaphore(%arg10 : memref<!tpu.dma_semaphore, #tpu.memory_space<semaphore_mem>>)
      %dma_wait3A_104 = arith.constant 0 : i32
      %dma_wait3A_105 = arith.constant 0 : i32
      %dma_wait3A_106 = tpu.memref_slice %arg4[%dma_wait3A_104, %dma_wait3A_105] : memref<320000x128xf32, #tpu.memory_space<hbm>> -> memref<400x128xf32, #tpu.memory_space<hbm>>
      %dma_wait3A_107 = arith.constant 0 : i32
      %dma_wait3A_108 = arith.constant 0 : i32
      %dma_wait3A_109 = tpu.memref_slice %arg4[%dma_wait3A_107, %dma_wait3A_108] : memref<320000x128xf32, #tpu.memory_space<hbm>> -> memref<400x128xf32, #tpu.memory_space<hbm>>
      tpu.wait_dma2 semaphore(%arg9 : memref<!tpu.dma_semaphore, #tpu.memory_space<semaphore_mem>>) src(%dma_wait3A_109 : memref<400x128xf32, #tpu.memory_space<hbm>>) dst(%arg7 : memref<400x128xf32, #tpu.memory_space<vmem>>)
      %mul3A_110 = arith.constant 400 : i32
      %mul3A_111 = arith.muli %mul3A_58, %mul3A_110 : i32
      %add3A_112 = arith.addi %mul3A_2, %mul3A_111 : i32
      "tpu.region"() ({
        %run_scoped3A = tpu.sem_alloc : memref<!tpu.dma_semaphore, #tpu.memory_space<semaphore_mem>>
        %dma_start3A_169 = arith.constant 0 : i32
        %dma_start3A_170 = tpu.memref_slice %arg4[%add3A_112, %dma_start3A_169] : memref<320000x128xf32, #tpu.memory_space<hbm>> -> memref<400x128xf32, #tpu.memory_space<hbm>>
        %dma_start3A_171 = arith.constant 0 : i32
        %dma_start3A_172 = tpu.memref_slice %arg4[%add3A_112, %dma_start3A_171] : memref<320000x128xf32, #tpu.memory_space<hbm>> -> memref<400x128xf32, #tpu.memory_space<hbm>>
        tpu.enqueue_dma source(%arg7 : memref<400x128xf32, #tpu.memory_space<vmem>>) target(%dma_start3A_172 : memref<400x128xf32, #tpu.memory_space<hbm>>) target_semaphore(%run_scoped3A : memref<!tpu.dma_semaphore, #tpu.memory_space<semaphore_mem>>)
        %dma_wait3A_173 = arith.constant 0 : i32
        %dma_wait3A_174 = tpu.memref_slice %arg4[%add3A_112, %dma_wait3A_173] : memref<320000x128xf32, #tpu.memory_space<hbm>> -> memref<400x128xf32, #tpu.memory_space<hbm>>
        %dma_wait3A_175 = arith.constant 0 : i32
        %dma_wait3A_176 = tpu.memref_slice %arg4[%add3A_112, %dma_wait3A_175] : memref<320000x128xf32, #tpu.memory_space<hbm>> -> memref<400x128xf32, #tpu.memory_space<hbm>>
        tpu.wait_dma2 semaphore(%run_scoped3A : memref<!tpu.dma_semaphore, #tpu.memory_space<semaphore_mem>>) src(%arg7 : memref<400x128xf32, #tpu.memory_space<vmem>>) dst(%dma_wait3A_176 : memref<400x128xf32, #tpu.memory_space<hbm>>)
        tpu.yield
      }) : () -> ()
      %add3A_113 = arith.constant 2 : i32
      %add3A_114 = arith.addi %mul3A_58, %add3A_113 : i32
      %mul3A_115 = arith.constant 400 : i32
      %mul3A_116 = arith.muli %add3A_114, %mul3A_115 : i32
      %add3A_117 = arith.addi %mul3A_2, %mul3A_116 : i32
      "tpu.region"() ({
        %run_scoped3A = tpu.sem_alloc : memref<!tpu.dma_semaphore, #tpu.memory_space<semaphore_mem>>
        %dma_start3A_169 = tpu.memref_slice %arg3[%add3A_117] : memref<320000xi32, #tpu.memory_space<hbm>> -> memref<400xi32, #tpu.memory_space<hbm>>
        %dma_start3A_170 = tpu.memref_slice %arg3[%add3A_117] : memref<320000xi32, #tpu.memory_space<hbm>> -> memref<400xi32, #tpu.memory_space<hbm>>
        tpu.enqueue_dma source(%dma_start3A_170 : memref<400xi32, #tpu.memory_space<hbm>>) target(%arg5 : memref<400xi32, #tpu.memory_space<vmem>>) target_semaphore(%run_scoped3A : memref<!tpu.dma_semaphore, #tpu.memory_space<semaphore_mem>>)
        %dma_wait3A_171 = tpu.memref_slice %arg3[%add3A_117] : memref<320000xi32, #tpu.memory_space<hbm>> -> memref<400xi32, #tpu.memory_space<hbm>>
        %dma_wait3A_172 = tpu.memref_slice %arg3[%add3A_117] : memref<320000xi32, #tpu.memory_space<hbm>> -> memref<400xi32, #tpu.memory_space<hbm>>
        tpu.wait_dma2 semaphore(%run_scoped3A : memref<!tpu.dma_semaphore, #tpu.memory_space<semaphore_mem>>) src(%dma_wait3A_172 : memref<400xi32, #tpu.memory_space<hbm>>) dst(%arg5 : memref<400xi32, #tpu.memory_space<vmem>>)
        tpu.yield
      }) : () -> ()
      %dma_start3A_118 = arith.constant 0 : i32
      %dma_start3A_119 = arith.constant 0 : i32
      %dma_start3A_120 = tpu.memref_slice %arg7[%dma_start3A_118, %dma_start3A_119] : memref<400x128xf32, #tpu.memory_space<vmem>> -> memref<80x128xf32, #tpu.memory_space<vmem>>
      %dma_start3A_121 = arith.constant 0 : i32
      %dma_start3A_122 = tpu.memref_slice %arg5[%dma_start3A_121] : memref<400xi32, #tpu.memory_space<vmem>> -> memref<80xi32, #tpu.memory_space<vmem>>
      %dma_start3A_123 = arith.constant 0 : i32
      %dma_start3A_124 = arith.constant 0 : i32
      %dma_start3A_125 = tpu.memref_slice %arg2[%dma_start3A_123, %dma_start3A_124] : memref<10000x128xf32, #tpu.memory_space<hbm>> -> memref<10000x128xf32, #tpu.memory_space<hbm>>
      tpu.enqueue_indirect_dma source(%dma_start3A_125 : memref<10000x128xf32, #tpu.memory_space<hbm>>) target(%dma_start3A_120 : memref<80x128xf32, #tpu.memory_space<vmem>>) offsets(%dma_start3A_122 : memref<80xi32, #tpu.memory_space<vmem>>) semaphore(%arg9 : memref<!tpu.dma_semaphore, #tpu.memory_space<semaphore_mem>>)
      %dma_start3A_126 = arith.constant 80 : i32
      %dma_start3A_127 = arith.constant 0 : i32
      %dma_start3A_128 = tpu.memref_slice %arg7[%dma_start3A_126, %dma_start3A_127] : memref<400x128xf32, #tpu.memory_space<vmem>> -> memref<80x128xf32, #tpu.memory_space<vmem>>
      %dma_start3A_129 = arith.constant 80 : i32
      %dma_start3A_130 = tpu.memref_slice %arg5[%dma_start3A_129] : memref<400xi32, #tpu.memory_space<vmem>> -> memref<80xi32, #tpu.memory_space<vmem>>
      %dma_start3A_131 = arith.constant 0 : i32
      %dma_start3A_132 = arith.constant 0 : i32
      %dma_start3A_133 = tpu.memref_slice %arg2[%dma_start3A_131, %dma_start3A_132] : memref<10000x128xf32, #tpu.memory_space<hbm>> -> memref<10000x128xf32, #tpu.memory_space<hbm>>
      tpu.enqueue_indirect_dma source(%dma_start3A_133 : memref<10000x128xf32, #tpu.memory_space<hbm>>) target(%dma_start3A_128 : memref<80x128xf32, #tpu.memory_space<vmem>>) offsets(%dma_start3A_130 : memref<80xi32, #tpu.memory_space<vmem>>) semaphore(%arg9 : memref<!tpu.dma_semaphore, #tpu.memory_space<semaphore_mem>>)
      %dma_start3A_134 = arith.constant 160 : i32
      %dma_start3A_135 = arith.constant 0 : i32
      %dma_start3A_136 = tpu.memref_slice %arg7[%dma_start3A_134, %dma_start3A_135] : memref<400x128xf32, #tpu.memory_space<vmem>> -> memref<80x128xf32, #tpu.memory_space<vmem>>
      %dma_start3A_137 = arith.constant 160 : i32
      %dma_start3A_138 = tpu.memref_slice %arg5[%dma_start3A_137] : memref<400xi32, #tpu.memory_space<vmem>> -> memref<80xi32, #tpu.memory_space<vmem>>
      %dma_start3A_139 = arith.constant 0 : i32
      %dma_start3A_140 = arith.constant 0 : i32
      %dma_start3A_141 = tpu.memref_slice %arg2[%dma_start3A_139, %dma_start3A_140] : memref<10000x128xf32, #tpu.memory_space<hbm>> -> memref<10000x128xf32, #tpu.memory_space<hbm>>
      tpu.enqueue_indirect_dma source(%dma_start3A_141 : memref<10000x128xf32, #tpu.memory_space<hbm>>) target(%dma_start3A_136 : memref<80x128xf32, #tpu.memory_space<vmem>>) offsets(%dma_start3A_138 : memref<80xi32, #tpu.memory_space<vmem>>) semaphore(%arg9 : memref<!tpu.dma_semaphore, #tpu.memory_space<semaphore_mem>>)
      %dma_start3A_142 = arith.constant 240 : i32
      %dma_start3A_143 = arith.constant 0 : i32
      %dma_start3A_144 = tpu.memref_slice %arg7[%dma_start3A_142, %dma_start3A_143] : memref<400x128xf32, #tpu.memory_space<vmem>> -> memref<80x128xf32, #tpu.memory_space<vmem>>
      %dma_start3A_145 = arith.constant 240 : i32
      %dma_start3A_146 = tpu.memref_slice %arg5[%dma_start3A_145] : memref<400xi32, #tpu.memory_space<vmem>> -> memref<80xi32, #tpu.memory_space<vmem>>
      %dma_start3A_147 = arith.constant 0 : i32
      %dma_start3A_148 = arith.constant 0 : i32
      %dma_start3A_149 = tpu.memref_slice %arg2[%dma_start3A_147, %dma_start3A_148] : memref<10000x128xf32, #tpu.memory_space<hbm>> -> memref<10000x128xf32, #tpu.memory_space<hbm>>
      tpu.enqueue_indirect_dma source(%dma_start3A_149 : memref<10000x128xf32, #tpu.memory_space<hbm>>) target(%dma_start3A_144 : memref<80x128xf32, #tpu.memory_space<vmem>>) offsets(%dma_start3A_146 : memref<80xi32, #tpu.memory_space<vmem>>) semaphore(%arg9 : memref<!tpu.dma_semaphore, #tpu.memory_space<semaphore_mem>>)
      %dma_start3A_150 = arith.constant 320 : i32
      %dma_start3A_151 = arith.constant 0 : i32
      %dma_start3A_152 = tpu.memref_slice %arg7[%dma_start3A_150, %dma_start3A_151] : memref<400x128xf32, #tpu.memory_space<vmem>> -> memref<80x128xf32, #tpu.memory_space<vmem>>
      %dma_start3A_153 = arith.constant 320 : i32
      %dma_start3A_154 = tpu.memref_slice %arg5[%dma_start3A_153] : memref<400xi32, #tpu.memory_space<vmem>> -> memref<80xi32, #tpu.memory_space<vmem>>
      %dma_start3A_155 = arith.constant 0 : i32
      %dma_start3A_156 = arith.constant 0 : i32
      %dma_start3A_157 = tpu.memref_slice %arg2[%dma_start3A_155, %dma_start3A_156] : memref<10000x128xf32, #tpu.memory_space<hbm>> -> memref<10000x128xf32, #tpu.memory_space<hbm>>
      tpu.enqueue_indirect_dma source(%dma_start3A_157 : memref<10000x128xf32, #tpu.memory_space<hbm>>) target(%dma_start3A_152 : memref<80x128xf32, #tpu.memory_space<vmem>>) offsets(%dma_start3A_154 : memref<80xi32, #tpu.memory_space<vmem>>) semaphore(%arg9 : memref<!tpu.dma_semaphore, #tpu.memory_space<semaphore_mem>>)
      %add3A_158 = arith.constant 1 : i32
      %add3A_159 = arith.addi %mul3A_58, %add3A_158 : i32
      %dma_wait3A_160 = arith.constant 0 : i32
      %dma_wait3A_161 = arith.constant 0 : i32
      %dma_wait3A_162 = tpu.memref_slice %arg4[%dma_wait3A_160, %dma_wait3A_161] : memref<320000x128xf32, #tpu.memory_space<hbm>> -> memref<400x128xf32, #tpu.memory_space<hbm>>
      %dma_wait3A_163 = arith.constant 0 : i32
      %dma_wait3A_164 = arith.constant 0 : i32
      %dma_wait3A_165 = tpu.memref_slice %arg4[%dma_wait3A_163, %dma_wait3A_164] : memref<320000x128xf32, #tpu.memory_space<hbm>> -> memref<400x128xf32, #tpu.memory_space<hbm>>
      tpu.wait_dma2 semaphore(%arg10 : memref<!tpu.dma_semaphore, #tpu.memory_space<semaphore_mem>>) src(%dma_wait3A_165 : memref<400x128xf32, #tpu.memory_space<hbm>>) dst(%arg8 : memref<400x128xf32, #tpu.memory_space<vmem>>)
      %mul3A_166 = arith.constant 400 : i32
      %mul3A_167 = arith.muli %add3A_159, %mul3A_166 : i32
      %add3A_168 = arith.addi %mul3A_2, %mul3A_167 : i32
      "tpu.region"() ({
        %run_scoped3A = tpu.sem_alloc : memref<!tpu.dma_semaphore, #tpu.memory_space<semaphore_mem>>
        %dma_start3A_169 = arith.constant 0 : i32
        %dma_start3A_170 = tpu.memref_slice %arg4[%add3A_168, %dma_start3A_169] : memref<320000x128xf32, #tpu.memory_space<hbm>> -> memref<400x128xf32, #tpu.memory_space<hbm>>
        %dma_start3A_171 = arith.constant 0 : i32
        %dma_start3A_172 = tpu.memref_slice %arg4[%add3A_168, %dma_start3A_171] : memref<320000x128xf32, #tpu.memory_space<hbm>> -> memref<400x128xf32, #tpu.memory_space<hbm>>
        tpu.enqueue_dma source(%arg8 : memref<400x128xf32, #tpu.memory_space<vmem>>) target(%dma_start3A_172 : memref<400x128xf32, #tpu.memory_space<hbm>>) target_semaphore(%run_scoped3A : memref<!tpu.dma_semaphore, #tpu.memory_space<semaphore_mem>>)
        %dma_wait3A_173 = arith.constant 0 : i32
        %dma_wait3A_174 = tpu.memref_slice %arg4[%add3A_168, %dma_wait3A_173] : memref<320000x128xf32, #tpu.memory_space<hbm>> -> memref<400x128xf32, #tpu.memory_space<hbm>>
        %dma_wait3A_175 = arith.constant 0 : i32
        %dma_wait3A_176 = tpu.memref_slice %arg4[%add3A_168, %dma_wait3A_175] : memref<320000x128xf32, #tpu.memory_space<hbm>> -> memref<400x128xf32, #tpu.memory_space<hbm>>
        tpu.wait_dma2 semaphore(%run_scoped3A : memref<!tpu.dma_semaphore, #tpu.memory_space<semaphore_mem>>) src(%arg8 : memref<400x128xf32, #tpu.memory_space<vmem>>) dst(%dma_wait3A_176 : memref<400x128xf32, #tpu.memory_space<hbm>>)
        tpu.yield
      }) : () -> ()
    }
    %scan3A_48 = arith.constant 12 : i32
    %dma_wait3A = arith.constant 0 : i32
    %dma_wait3A_49 = arith.constant 0 : i32
    %dma_wait3A_50 = tpu.memref_slice %arg4[%dma_wait3A, %dma_wait3A_49] : memref<320000x128xf32, #tpu.memory_space<hbm>> -> memref<400x128xf32, #tpu.memory_space<hbm>>
    %dma_wait3A_51 = arith.constant 0 : i32
    %dma_wait3A_52 = arith.constant 0 : i32
    %dma_wait3A_53 = tpu.memref_slice %arg4[%dma_wait3A_51, %dma_wait3A_52] : memref<320000x128xf32, #tpu.memory_space<hbm>> -> memref<400x128xf32, #tpu.memory_space<hbm>>
    tpu.wait_dma2 semaphore(%arg9 : memref<!tpu.dma_semaphore, #tpu.memory_space<semaphore_mem>>) src(%dma_wait3A_53 : memref<400x128xf32, #tpu.memory_space<hbm>>) dst(%arg7 : memref<400x128xf32, #tpu.memory_space<vmem>>)
    %add3A_54 = arith.constant 9600 : i32
    %add3A_55 = arith.addi %mul3A_2, %add3A_54 : i32
    "tpu.region"() ({
      %run_scoped3A = tpu.sem_alloc : memref<!tpu.dma_semaphore, #tpu.memory_space<semaphore_mem>>
      %dma_start3A_56 = arith.constant 0 : i32
      %dma_start3A_57 = tpu.memref_slice %arg4[%add3A_55, %dma_start3A_56] : memref<320000x128xf32, #tpu.memory_space<hbm>> -> memref<400x128xf32, #tpu.memory_space<hbm>>
      %dma_start3A_58 = arith.constant 0 : i32
      %dma_start3A_59 = tpu.memref_slice %arg4[%add3A_55, %dma_start3A_58] : memref<320000x128xf32, #tpu.memory_space<hbm>> -> memref<400x128xf32, #tpu.memory_space<hbm>>
      tpu.enqueue_dma source(%arg7 : memref<400x128xf32, #tpu.memory_space<vmem>>) target(%dma_start3A_59 : memref<400x128xf32, #tpu.memory_space<hbm>>) target_semaphore(%run_scoped3A : memref<!tpu.dma_semaphore, #tpu.memory_space<semaphore_mem>>)
      %dma_wait3A_60 = arith.constant 0 : i32
      %dma_wait3A_61 = tpu.memref_slice %arg4[%add3A_55, %dma_wait3A_60] : memref<320000x128xf32, #tpu.memory_space<hbm>> -> memref<400x128xf32, #tpu.memory_space<hbm>>
      %dma_wait3A_62 = arith.constant 0 : i32
      %dma_wait3A_63 = tpu.memref_slice %arg4[%add3A_55, %dma_wait3A_62] : memref<320000x128xf32, #tpu.memory_space<hbm>> -> memref<400x128xf32, #tpu.memory_space<hbm>>
      tpu.wait_dma2 semaphore(%run_scoped3A : memref<!tpu.dma_semaphore, #tpu.memory_space<semaphore_mem>>) src(%arg7 : memref<400x128xf32, #tpu.memory_space<vmem>>) dst(%dma_wait3A_63 : memref<400x128xf32, #tpu.memory_space<hbm>>)
      tpu.yield
    }) : () -> ()
    return
  }
}

#map = affine_map<(d0, d1) -> (0, 0, 0)>
#map1 = affine_map<(d0, d1) -> (0, 0)>
module attributes {stable_mosaic.version = 14 : i64} {
  func.func @_sc_scatter_body(%arg0: i32, %arg1: i32, %arg2: memref<6400x50x128xf32, #tpu.memory_space<hbm>>, %arg3: memref<6400x50xi32, #tpu.memory_space<hbm>>, %arg4: memref<10240x128xf32, #tpu.memory_space<hbm>>, %arg5: memref<20480x128xf32, #tpu.memory_space<hbm>>, %arg6: memref<4x50xi32, #tpu.memory_space<vmem>>, %arg7: memref<4x50x128xf32, #tpu.memory_space<vmem>>, %arg8: memref<10240x128xf32, #tpu.memory_space<vmem_shared>>, %arg9: memref<!tpu.dma_semaphore, #tpu.memory_space<semaphore_mem>>) attributes {dimension_semantics = [#tpu.dimension_semantics<core_parallel>, #tpu.dimension_semantics<subcore_parallel>], iteration_bounds = array<i64: 2, 16>, scalar_prefetch = 0 : i64, scratch_operands = 4 : i64, tpu.core_type = #tpu.core_type<sc_vector_subcore>, window_params = [{transform_indices = #map}, {transform_indices = #map1}, {transform_indices = #map1}, {transform_indices = #map1}]} {
    %mul3A = arith.constant 2 : i32
    %mul3A_0 = arith.muli %arg1, %mul3A : i32
    %add3A = arith.addi %mul3A_0, %arg0 : i32
    %mul3A_1 = arith.constant 640 : i32
    %mul3A_2 = arith.muli %arg1, %mul3A_1 : i32
    %mul3A_3 = arith.constant 640 : i32
    %mul3A_4 = arith.muli %arg1, %mul3A_3 : i32
    "tpu.region"() ({
      %run_scoped3A = tpu.sem_alloc : memref<!tpu.dma_semaphore, #tpu.memory_space<semaphore_mem>>
      %dma_start3A = arith.constant 0 : i32
      %dma_start3A_18 = tpu.memref_slice %arg8[%mul3A_4, %dma_start3A] : memref<10240x128xf32, #tpu.memory_space<vmem_shared>> -> memref<640x128xf32, #tpu.memory_space<vmem_shared>>
      %dma_start3A_19 = arith.constant 0 : i32
      %dma_start3A_20 = tpu.memref_slice %arg4[%mul3A_2, %dma_start3A_19] : memref<10240x128xf32, #tpu.memory_space<hbm>> -> memref<640x128xf32, #tpu.memory_space<hbm>>
      tpu.enqueue_dma source(%dma_start3A_20 : memref<640x128xf32, #tpu.memory_space<hbm>>) target(%dma_start3A_18 : memref<640x128xf32, #tpu.memory_space<vmem_shared>>) target_semaphore(%run_scoped3A : memref<!tpu.dma_semaphore, #tpu.memory_space<semaphore_mem>>)
      %dma_wait3A = arith.constant 0 : i32
      %dma_wait3A_21 = tpu.memref_slice %arg8[%mul3A_4, %dma_wait3A] : memref<10240x128xf32, #tpu.memory_space<vmem_shared>> -> memref<640x128xf32, #tpu.memory_space<vmem_shared>>
      %dma_wait3A_22 = arith.constant 0 : i32
      %dma_wait3A_23 = tpu.memref_slice %arg4[%mul3A_2, %dma_wait3A_22] : memref<10240x128xf32, #tpu.memory_space<hbm>> -> memref<640x128xf32, #tpu.memory_space<hbm>>
      tpu.wait_dma2 semaphore(%run_scoped3A : memref<!tpu.dma_semaphore, #tpu.memory_space<semaphore_mem>>) src(%dma_wait3A_23 : memref<640x128xf32, #tpu.memory_space<hbm>>) dst(%dma_wait3A_21 : memref<640x128xf32, #tpu.memory_space<vmem_shared>>)
      tpu.yield
    }) : () -> ()
    %barrier3A = arith.constant 0 : index
    tpu.barrier barrier_id(%barrier3A)
    %scan3A = arith.constant 0 : i32
    %scan3A_5 = arith.constant 0 : i32
    %scan3A_6 = arith.constant 50 : i32
    %scan3A_7 = arith.addi %scan3A_5, %scan3A_6 : i32
    %scan3A_8 = arith.constant 1 : i32
    scf.for %scan3A_18 = %scan3A_5 to %scan3A_7 step %scan3A_8  : i32 {
      %mul3A_19 = arith.constant 200 : i32
      %mul3A_20 = arith.muli %add3A, %mul3A_19 : i32
      %mul3A_21 = arith.constant 4 : i32
      %mul3A_22 = arith.muli %scan3A_18, %mul3A_21 : i32
      %add3A_23 = arith.addi %mul3A_20, %mul3A_22 : i32
      "tpu.region"() ({
        %run_scoped3A_31 = tpu.sem_alloc : memref<!tpu.dma_semaphore, #tpu.memory_space<semaphore_mem>>
        %dma_start3A = arith.constant 0 : i32
        %dma_start3A_32 = tpu.memref_slice %arg3[%add3A_23, %dma_start3A] : memref<6400x50xi32, #tpu.memory_space<hbm>> -> memref<4x50xi32, #tpu.memory_space<hbm>>
        %dma_start3A_33 = arith.constant 0 : i32
        %dma_start3A_34 = tpu.memref_slice %arg3[%add3A_23, %dma_start3A_33] : memref<6400x50xi32, #tpu.memory_space<hbm>> -> memref<4x50xi32, #tpu.memory_space<hbm>>
        tpu.enqueue_dma source(%dma_start3A_34 : memref<4x50xi32, #tpu.memory_space<hbm>>) target(%arg6 : memref<4x50xi32, #tpu.memory_space<vmem>>) target_semaphore(%run_scoped3A_31 : memref<!tpu.dma_semaphore, #tpu.memory_space<semaphore_mem>>)
        %dma_wait3A = arith.constant 0 : i32
        %dma_wait3A_35 = tpu.memref_slice %arg3[%add3A_23, %dma_wait3A] : memref<6400x50xi32, #tpu.memory_space<hbm>> -> memref<4x50xi32, #tpu.memory_space<hbm>>
        %dma_wait3A_36 = arith.constant 0 : i32
        %dma_wait3A_37 = tpu.memref_slice %arg3[%add3A_23, %dma_wait3A_36] : memref<6400x50xi32, #tpu.memory_space<hbm>> -> memref<4x50xi32, #tpu.memory_space<hbm>>
        tpu.wait_dma2 semaphore(%run_scoped3A_31 : memref<!tpu.dma_semaphore, #tpu.memory_space<semaphore_mem>>) src(%dma_wait3A_37 : memref<4x50xi32, #tpu.memory_space<hbm>>) dst(%arg6 : memref<4x50xi32, #tpu.memory_space<vmem>>)
        tpu.yield
      }) : () -> ()
      "tpu.region"() ({
        %run_scoped3A_31 = tpu.sem_alloc : memref<!tpu.dma_semaphore, #tpu.memory_space<semaphore_mem>>
        %dma_start3A = arith.constant 0 : i32
        %dma_start3A_32 = arith.constant 0 : i32
        %dma_start3A_33 = tpu.memref_slice %arg2[%add3A_23, %dma_start3A, %dma_start3A_32] : memref<6400x50x128xf32, #tpu.memory_space<hbm>> -> memref<4x50x128xf32, #tpu.memory_space<hbm>>
        %dma_start3A_34 = arith.constant 0 : i32
        %dma_start3A_35 = arith.constant 0 : i32
        %dma_start3A_36 = tpu.memref_slice %arg2[%add3A_23, %dma_start3A_34, %dma_start3A_35] : memref<6400x50x128xf32, #tpu.memory_space<hbm>> -> memref<4x50x128xf32, #tpu.memory_space<hbm>>
        tpu.enqueue_dma source(%dma_start3A_36 : memref<4x50x128xf32, #tpu.memory_space<hbm>>) target(%arg7 : memref<4x50x128xf32, #tpu.memory_space<vmem>>) target_semaphore(%run_scoped3A_31 : memref<!tpu.dma_semaphore, #tpu.memory_space<semaphore_mem>>)
        %dma_wait3A = arith.constant 0 : i32
        %dma_wait3A_37 = arith.constant 0 : i32
        %dma_wait3A_38 = tpu.memref_slice %arg2[%add3A_23, %dma_wait3A, %dma_wait3A_37] : memref<6400x50x128xf32, #tpu.memory_space<hbm>> -> memref<4x50x128xf32, #tpu.memory_space<hbm>>
        %dma_wait3A_39 = arith.constant 0 : i32
        %dma_wait3A_40 = arith.constant 0 : i32
        %dma_wait3A_41 = tpu.memref_slice %arg2[%add3A_23, %dma_wait3A_39, %dma_wait3A_40] : memref<6400x50x128xf32, #tpu.memory_space<hbm>> -> memref<4x50x128xf32, #tpu.memory_space<hbm>>
        tpu.wait_dma2 semaphore(%run_scoped3A_31 : memref<!tpu.dma_semaphore, #tpu.memory_space<semaphore_mem>>) src(%dma_wait3A_41 : memref<4x50x128xf32, #tpu.memory_space<hbm>>) dst(%arg7 : memref<4x50x128xf32, #tpu.memory_space<vmem>>)
        tpu.yield
      }) : () -> ()
      %run_scoped3A = arith.constant 0 : i32
      %run_scoped3A_24 = arith.constant 0 : i32
      "tpu.region"() ({
        %run_scoped3A_31 = tpu.sem_alloc : memref<!tpu.dma_semaphore, #tpu.memory_space<semaphore_mem>>
        %dma_start3A = arith.constant 0 : i32
        %dma_start3A_32 = arith.constant 0 : i32
        %dma_start3A_33 = tpu.memref_slice %arg7[%run_scoped3A, %dma_start3A, %dma_start3A_32] : memref<4x50x128xf32, #tpu.memory_space<vmem>> -> memref<1x50x128xf32, #tpu.memory_space<vmem>>
        %dma_start3A_34 = tpu.memref_squeeze %dma_start3A_33 : memref<1x50x128xf32, #tpu.memory_space<vmem>> -> memref<50x128xf32, #tpu.memory_space<vmem>>
        %dma_start3A_35 = arith.constant 0 : i32
        %dma_start3A_36 = tpu.memref_slice %arg6[%run_scoped3A_24, %dma_start3A_35] : memref<4x50xi32, #tpu.memory_space<vmem>> -> memref<1x50xi32, #tpu.memory_space<vmem>>
        %dma_start3A_37 = tpu.memref_squeeze %dma_start3A_36 : memref<1x50xi32, #tpu.memory_space<vmem>> -> memref<50xi32, #tpu.memory_space<vmem>>
        %dma_start3A_38 = arith.constant 0 : i32
        %dma_start3A_39 = arith.constant 0 : i32
        %dma_start3A_40 = tpu.memref_slice %arg8[%dma_start3A_38, %dma_start3A_39] : memref<10240x128xf32, #tpu.memory_space<vmem_shared>> -> memref<10240x128xf32, #tpu.memory_space<vmem_shared>>
        tpu.enqueue_indirect_dma source(%dma_start3A_34 : memref<50x128xf32, #tpu.memory_space<vmem>>) target(%dma_start3A_40 : memref<10240x128xf32, #tpu.memory_space<vmem_shared>>) offsets(%dma_start3A_37 : memref<50xi32, #tpu.memory_space<vmem>>) semaphore(%run_scoped3A_31 : memref<!tpu.dma_semaphore, #tpu.memory_space<semaphore_mem>>) {add = true}
        %dma_wait3A = arith.constant 0 : i32
        %dma_wait3A_41 = arith.constant 0 : i32
        %dma_wait3A_42 = tpu.memref_slice %arg7[%run_scoped3A, %dma_wait3A, %dma_wait3A_41] : memref<4x50x128xf32, #tpu.memory_space<vmem>> -> memref<1x50x128xf32, #tpu.memory_space<vmem>>
        %dma_wait3A_43 = tpu.memref_squeeze %dma_wait3A_42 : memref<1x50x128xf32, #tpu.memory_space<vmem>> -> memref<50x128xf32, #tpu.memory_space<vmem>>
        %dma_wait3A_44 = arith.constant 0 : i32
        %dma_wait3A_45 = tpu.memref_slice %arg6[%run_scoped3A_24, %dma_wait3A_44] : memref<4x50xi32, #tpu.memory_space<vmem>> -> memref<1x50xi32, #tpu.memory_space<vmem>>
        %dma_wait3A_46 = tpu.memref_squeeze %dma_wait3A_45 : memref<1x50xi32, #tpu.memory_space<vmem>> -> memref<50xi32, #tpu.memory_space<vmem>>
        %dma_wait3A_47 = arith.constant 0 : i32
        %dma_wait3A_48 = arith.constant 0 : i32
        %dma_wait3A_49 = tpu.memref_slice %arg8[%dma_wait3A_47, %dma_wait3A_48] : memref<10240x128xf32, #tpu.memory_space<vmem_shared>> -> memref<10240x128xf32, #tpu.memory_space<vmem_shared>>
        tpu.wait_indirect_dma semaphore(%run_scoped3A_31 : memref<!tpu.dma_semaphore, #tpu.memory_space<semaphore_mem>>) src(%dma_wait3A_43 : memref<50x128xf32, #tpu.memory_space<vmem>>) dst(%dma_wait3A_49 : memref<10240x128xf32, #tpu.memory_space<vmem_shared>>)
        tpu.yield
      }) : () -> ()
      %run_scoped3A_25 = arith.constant 1 : i32
      %run_scoped3A_26 = arith.constant 1 : i32
      "tpu.region"() ({
        %run_scoped3A_31 = tpu.sem_alloc : memref<!tpu.dma_semaphore, #tpu.memory_space<semaphore_mem>>
        %dma_start3A = arith.constant 0 : i32
        %dma_start3A_32 = arith.constant 0 : i32
        %dma_start3A_33 = tpu.memref_slice %arg7[%run_scoped3A_25, %dma_start3A, %dma_start3A_32] : memref<4x50x128xf32, #tpu.memory_space<vmem>> -> memref<1x50x128xf32, #tpu.memory_space<vmem>>
        %dma_start3A_34 = tpu.memref_squeeze %dma_start3A_33 : memref<1x50x128xf32, #tpu.memory_space<vmem>> -> memref<50x128xf32, #tpu.memory_space<vmem>>
        %dma_start3A_35 = arith.constant 0 : i32
        %dma_start3A_36 = tpu.memref_slice %arg6[%run_scoped3A_26, %dma_start3A_35] : memref<4x50xi32, #tpu.memory_space<vmem>> -> memref<1x50xi32, #tpu.memory_space<vmem>>
        %dma_start3A_37 = tpu.memref_squeeze %dma_start3A_36 : memref<1x50xi32, #tpu.memory_space<vmem>> -> memref<50xi32, #tpu.memory_space<vmem>>
        %dma_start3A_38 = arith.constant 0 : i32
        %dma_start3A_39 = arith.constant 0 : i32
        %dma_start3A_40 = tpu.memref_slice %arg8[%dma_start3A_38, %dma_start3A_39] : memref<10240x128xf32, #tpu.memory_space<vmem_shared>> -> memref<10240x128xf32, #tpu.memory_space<vmem_shared>>
        tpu.enqueue_indirect_dma source(%dma_start3A_34 : memref<50x128xf32, #tpu.memory_space<vmem>>) target(%dma_start3A_40 : memref<10240x128xf32, #tpu.memory_space<vmem_shared>>) offsets(%dma_start3A_37 : memref<50xi32, #tpu.memory_space<vmem>>) semaphore(%run_scoped3A_31 : memref<!tpu.dma_semaphore, #tpu.memory_space<semaphore_mem>>) {add = true}
        %dma_wait3A = arith.constant 0 : i32
        %dma_wait3A_41 = arith.constant 0 : i32
        %dma_wait3A_42 = tpu.memref_slice %arg7[%run_scoped3A_25, %dma_wait3A, %dma_wait3A_41] : memref<4x50x128xf32, #tpu.memory_space<vmem>> -> memref<1x50x128xf32, #tpu.memory_space<vmem>>
        %dma_wait3A_43 = tpu.memref_squeeze %dma_wait3A_42 : memref<1x50x128xf32, #tpu.memory_space<vmem>> -> memref<50x128xf32, #tpu.memory_space<vmem>>
        %dma_wait3A_44 = arith.constant 0 : i32
        %dma_wait3A_45 = tpu.memref_slice %arg6[%run_scoped3A_26, %dma_wait3A_44] : memref<4x50xi32, #tpu.memory_space<vmem>> -> memref<1x50xi32, #tpu.memory_space<vmem>>
        %dma_wait3A_46 = tpu.memref_squeeze %dma_wait3A_45 : memref<1x50xi32, #tpu.memory_space<vmem>> -> memref<50xi32, #tpu.memory_space<vmem>>
        %dma_wait3A_47 = arith.constant 0 : i32
        %dma_wait3A_48 = arith.constant 0 : i32
        %dma_wait3A_49 = tpu.memref_slice %arg8[%dma_wait3A_47, %dma_wait3A_48] : memref<10240x128xf32, #tpu.memory_space<vmem_shared>> -> memref<10240x128xf32, #tpu.memory_space<vmem_shared>>
        tpu.wait_indirect_dma semaphore(%run_scoped3A_31 : memref<!tpu.dma_semaphore, #tpu.memory_space<semaphore_mem>>) src(%dma_wait3A_43 : memref<50x128xf32, #tpu.memory_space<vmem>>) dst(%dma_wait3A_49 : memref<10240x128xf32, #tpu.memory_space<vmem_shared>>)
        tpu.yield
      }) : () -> ()
      %run_scoped3A_27 = arith.constant 2 : i32
      %run_scoped3A_28 = arith.constant 2 : i32
      "tpu.region"() ({
        %run_scoped3A_31 = tpu.sem_alloc : memref<!tpu.dma_semaphore, #tpu.memory_space<semaphore_mem>>
        %dma_start3A = arith.constant 0 : i32
        %dma_start3A_32 = arith.constant 0 : i32
        %dma_start3A_33 = tpu.memref_slice %arg7[%run_scoped3A_27, %dma_start3A, %dma_start3A_32] : memref<4x50x128xf32, #tpu.memory_space<vmem>> -> memref<1x50x128xf32, #tpu.memory_space<vmem>>
        %dma_start3A_34 = tpu.memref_squeeze %dma_start3A_33 : memref<1x50x128xf32, #tpu.memory_space<vmem>> -> memref<50x128xf32, #tpu.memory_space<vmem>>
        %dma_start3A_35 = arith.constant 0 : i32
        %dma_start3A_36 = tpu.memref_slice %arg6[%run_scoped3A_28, %dma_start3A_35] : memref<4x50xi32, #tpu.memory_space<vmem>> -> memref<1x50xi32, #tpu.memory_space<vmem>>
        %dma_start3A_37 = tpu.memref_squeeze %dma_start3A_36 : memref<1x50xi32, #tpu.memory_space<vmem>> -> memref<50xi32, #tpu.memory_space<vmem>>
        %dma_start3A_38 = arith.constant 0 : i32
        %dma_start3A_39 = arith.constant 0 : i32
        %dma_start3A_40 = tpu.memref_slice %arg8[%dma_start3A_38, %dma_start3A_39] : memref<10240x128xf32, #tpu.memory_space<vmem_shared>> -> memref<10240x128xf32, #tpu.memory_space<vmem_shared>>
        tpu.enqueue_indirect_dma source(%dma_start3A_34 : memref<50x128xf32, #tpu.memory_space<vmem>>) target(%dma_start3A_40 : memref<10240x128xf32, #tpu.memory_space<vmem_shared>>) offsets(%dma_start3A_37 : memref<50xi32, #tpu.memory_space<vmem>>) semaphore(%run_scoped3A_31 : memref<!tpu.dma_semaphore, #tpu.memory_space<semaphore_mem>>) {add = true}
        %dma_wait3A = arith.constant 0 : i32
        %dma_wait3A_41 = arith.constant 0 : i32
        %dma_wait3A_42 = tpu.memref_slice %arg7[%run_scoped3A_27, %dma_wait3A, %dma_wait3A_41] : memref<4x50x128xf32, #tpu.memory_space<vmem>> -> memref<1x50x128xf32, #tpu.memory_space<vmem>>
        %dma_wait3A_43 = tpu.memref_squeeze %dma_wait3A_42 : memref<1x50x128xf32, #tpu.memory_space<vmem>> -> memref<50x128xf32, #tpu.memory_space<vmem>>
        %dma_wait3A_44 = arith.constant 0 : i32
        %dma_wait3A_45 = tpu.memref_slice %arg6[%run_scoped3A_28, %dma_wait3A_44] : memref<4x50xi32, #tpu.memory_space<vmem>> -> memref<1x50xi32, #tpu.memory_space<vmem>>
        %dma_wait3A_46 = tpu.memref_squeeze %dma_wait3A_45 : memref<1x50xi32, #tpu.memory_space<vmem>> -> memref<50xi32, #tpu.memory_space<vmem>>
        %dma_wait3A_47 = arith.constant 0 : i32
        %dma_wait3A_48 = arith.constant 0 : i32
        %dma_wait3A_49 = tpu.memref_slice %arg8[%dma_wait3A_47, %dma_wait3A_48] : memref<10240x128xf32, #tpu.memory_space<vmem_shared>> -> memref<10240x128xf32, #tpu.memory_space<vmem_shared>>
        tpu.wait_indirect_dma semaphore(%run_scoped3A_31 : memref<!tpu.dma_semaphore, #tpu.memory_space<semaphore_mem>>) src(%dma_wait3A_43 : memref<50x128xf32, #tpu.memory_space<vmem>>) dst(%dma_wait3A_49 : memref<10240x128xf32, #tpu.memory_space<vmem_shared>>)
        tpu.yield
      }) : () -> ()
      %run_scoped3A_29 = arith.constant 3 : i32
      %run_scoped3A_30 = arith.constant 3 : i32
      "tpu.region"() ({
        %run_scoped3A_31 = tpu.sem_alloc : memref<!tpu.dma_semaphore, #tpu.memory_space<semaphore_mem>>
        %dma_start3A = arith.constant 0 : i32
        %dma_start3A_32 = arith.constant 0 : i32
        %dma_start3A_33 = tpu.memref_slice %arg7[%run_scoped3A_29, %dma_start3A, %dma_start3A_32] : memref<4x50x128xf32, #tpu.memory_space<vmem>> -> memref<1x50x128xf32, #tpu.memory_space<vmem>>
        %dma_start3A_34 = tpu.memref_squeeze %dma_start3A_33 : memref<1x50x128xf32, #tpu.memory_space<vmem>> -> memref<50x128xf32, #tpu.memory_space<vmem>>
        %dma_start3A_35 = arith.constant 0 : i32
        %dma_start3A_36 = tpu.memref_slice %arg6[%run_scoped3A_30, %dma_start3A_35] : memref<4x50xi32, #tpu.memory_space<vmem>> -> memref<1x50xi32, #tpu.memory_space<vmem>>
        %dma_start3A_37 = tpu.memref_squeeze %dma_start3A_36 : memref<1x50xi32, #tpu.memory_space<vmem>> -> memref<50xi32, #tpu.memory_space<vmem>>
        %dma_start3A_38 = arith.constant 0 : i32
        %dma_start3A_39 = arith.constant 0 : i32
        %dma_start3A_40 = tpu.memref_slice %arg8[%dma_start3A_38, %dma_start3A_39] : memref<10240x128xf32, #tpu.memory_space<vmem_shared>> -> memref<10240x128xf32, #tpu.memory_space<vmem_shared>>
        tpu.enqueue_indirect_dma source(%dma_start3A_34 : memref<50x128xf32, #tpu.memory_space<vmem>>) target(%dma_start3A_40 : memref<10240x128xf32, #tpu.memory_space<vmem_shared>>) offsets(%dma_start3A_37 : memref<50xi32, #tpu.memory_space<vmem>>) semaphore(%run_scoped3A_31 : memref<!tpu.dma_semaphore, #tpu.memory_space<semaphore_mem>>) {add = true}
        %dma_wait3A = arith.constant 0 : i32
        %dma_wait3A_41 = arith.constant 0 : i32
        %dma_wait3A_42 = tpu.memref_slice %arg7[%run_scoped3A_29, %dma_wait3A, %dma_wait3A_41] : memref<4x50x128xf32, #tpu.memory_space<vmem>> -> memref<1x50x128xf32, #tpu.memory_space<vmem>>
        %dma_wait3A_43 = tpu.memref_squeeze %dma_wait3A_42 : memref<1x50x128xf32, #tpu.memory_space<vmem>> -> memref<50x128xf32, #tpu.memory_space<vmem>>
        %dma_wait3A_44 = arith.constant 0 : i32
        %dma_wait3A_45 = tpu.memref_slice %arg6[%run_scoped3A_30, %dma_wait3A_44] : memref<4x50xi32, #tpu.memory_space<vmem>> -> memref<1x50xi32, #tpu.memory_space<vmem>>
        %dma_wait3A_46 = tpu.memref_squeeze %dma_wait3A_45 : memref<1x50xi32, #tpu.memory_space<vmem>> -> memref<50xi32, #tpu.memory_space<vmem>>
        %dma_wait3A_47 = arith.constant 0 : i32
        %dma_wait3A_48 = arith.constant 0 : i32
        %dma_wait3A_49 = tpu.memref_slice %arg8[%dma_wait3A_47, %dma_wait3A_48] : memref<10240x128xf32, #tpu.memory_space<vmem_shared>> -> memref<10240x128xf32, #tpu.memory_space<vmem_shared>>
        tpu.wait_indirect_dma semaphore(%run_scoped3A_31 : memref<!tpu.dma_semaphore, #tpu.memory_space<semaphore_mem>>) src(%dma_wait3A_43 : memref<50x128xf32, #tpu.memory_space<vmem>>) dst(%dma_wait3A_49 : memref<10240x128xf32, #tpu.memory_space<vmem_shared>>)
        tpu.yield
      }) : () -> ()
    }
    %scan3A_9 = arith.constant 50 : i32
    %barrier3A_10 = arith.constant 0 : index
    tpu.barrier barrier_id(%barrier3A_10)
    %mul3A_11 = arith.constant 10240 : i32
    %mul3A_12 = arith.muli %arg0, %mul3A_11 : i32
    %mul3A_13 = arith.constant 640 : i32
    %mul3A_14 = arith.muli %arg1, %mul3A_13 : i32
    %add3A_15 = arith.addi %mul3A_12, %mul3A_14 : i32
    %mul3A_16 = arith.constant 640 : i32
    %mul3A_17 = arith.muli %arg1, %mul3A_16 : i32
    "tpu.region"() ({
      %run_scoped3A = tpu.sem_alloc : memref<!tpu.dma_semaphore, #tpu.memory_space<semaphore_mem>>
      %dma_start3A = arith.constant 0 : i32
      %dma_start3A_18 = tpu.memref_slice %arg5[%add3A_15, %dma_start3A] : memref<20480x128xf32, #tpu.memory_space<hbm>> -> memref<640x128xf32, #tpu.memory_space<hbm>>
      %dma_start3A_19 = arith.constant 0 : i32
      %dma_start3A_20 = tpu.memref_slice %arg8[%mul3A_17, %dma_start3A_19] : memref<10240x128xf32, #tpu.memory_space<vmem_shared>> -> memref<640x128xf32, #tpu.memory_space<vmem_shared>>
      tpu.enqueue_dma source(%dma_start3A_20 : memref<640x128xf32, #tpu.memory_space<vmem_shared>>) target(%dma_start3A_18 : memref<640x128xf32, #tpu.memory_space<hbm>>) target_semaphore(%run_scoped3A : memref<!tpu.dma_semaphore, #tpu.memory_space<semaphore_mem>>)
      %dma_wait3A = arith.constant 0 : i32
      %dma_wait3A_21 = tpu.memref_slice %arg5[%add3A_15, %dma_wait3A] : memref<20480x128xf32, #tpu.memory_space<hbm>> -> memref<640x128xf32, #tpu.memory_space<hbm>>
      %dma_wait3A_22 = arith.constant 0 : i32
      %dma_wait3A_23 = tpu.memref_slice %arg8[%mul3A_17, %dma_wait3A_22] : memref<10240x128xf32, #tpu.memory_space<vmem_shared>> -> memref<640x128xf32, #tpu.memory_space<vmem_shared>>
      tpu.wait_dma2 semaphore(%run_scoped3A : memref<!tpu.dma_semaphore, #tpu.memory_space<semaphore_mem>>) src(%dma_wait3A_23 : memref<640x128xf32, #tpu.memory_space<vmem_shared>>) dst(%dma_wait3A_21 : memref<640x128xf32, #tpu.memory_space<hbm>>)
      tpu.yield
    }) : () -> ()
    return
  }
}

module attributes {stable_mosaic.version = 14 : i64} {
  func.func @_edge_mlp_body(%arg0: i32, %arg1: memref<2560x128xf32, #tpu.memory_space<vmem>>, %arg2: memref<2560x16xf32, #tpu.memory_space<vmem>>, %arg3: memref<128x256xf32, #tpu.memory_space<vmem>>, %arg4: memref<16x256xf32, #tpu.memory_space<vmem>>, %arg5: memref<1x256xf32, #tpu.memory_space<vmem>>, %arg6: memref<256x256xf32, #tpu.memory_space<vmem>>, %arg7: memref<1x256xf32, #tpu.memory_space<vmem>>, %arg8: memref<256x128xf32, #tpu.memory_space<vmem>>, %arg9: memref<1x128xf32, #tpu.memory_space<vmem>>, %arg10: memref<2560x128xf32, #tpu.memory_space<vmem>>) attributes {dimension_semantics = [#tpu.dimension_semantics<arbitrary>], iteration_bounds = array<i64: 125>, scalar_prefetch = 0 : i64, scratch_operands = 0 : i64, tpu.core_type = #tpu.core_type<tc>, window_params = [{transform_indices = @transform_0, window_bounds = array<i64: 2560, 128>}, {transform_indices = @transform_1, window_bounds = array<i64: 2560, 16>}, {pipeline_mode = #tpu.pipeline_mode<synchronous>, transform_indices = @transform_2, window_bounds = array<i64: 128, 256>}, {pipeline_mode = #tpu.pipeline_mode<synchronous>, transform_indices = @transform_3, window_bounds = array<i64: 16, 256>}, {pipeline_mode = #tpu.pipeline_mode<synchronous>, transform_indices = @transform_4, window_bounds = array<i64: 1, 256>}, {pipeline_mode = #tpu.pipeline_mode<synchronous>, transform_indices = @transform_5, window_bounds = array<i64: 256, 256>}, {pipeline_mode = #tpu.pipeline_mode<synchronous>, transform_indices = @transform_6, window_bounds = array<i64: 1, 256>}, {pipeline_mode = #tpu.pipeline_mode<synchronous>, transform_indices = @transform_7, window_bounds = array<i64: 256, 128>}, {pipeline_mode = #tpu.pipeline_mode<synchronous>, transform_indices = @transform_8, window_bounds = array<i64: 1, 128>}, {transform_indices = @transform_9, window_bounds = array<i64: 2560, 128>}]} {
    %get3A = arith.constant 0 : index
    %get3A_0 = arith.constant 0 : index
    %get3A_1 = vector.load %arg1[%get3A, %get3A_0] : memref<2560x128xf32, #tpu.memory_space<vmem>>, vector<2560x128xf32>
    %convert_element_type3A = arith.truncf %get3A_1 : vector<2560x128xf32> to vector<2560x128xbf16>
    %get3A_2 = arith.constant 0 : index
    %get3A_3 = arith.constant 0 : index
    %get3A_4 = vector.load %arg3[%get3A_2, %get3A_3] : memref<128x256xf32, #tpu.memory_space<vmem>>, vector<128x256xf32>
    %convert_element_type3A_5 = arith.truncf %get3A_4 : vector<128x256xf32> to vector<128x256xbf16>
    %dot_general3A = arith.constant dense<0.000000e+00> : vector<2560x256xf32>
    %dot_general3A_6 = tpu.matmul %convert_element_type3A, %convert_element_type3A_5, %dot_general3A {dimension_numbers = #tpu.dot_dimension_numbers<[1], [0], [0], [1], [0, 0, 1, 1], [], []>, transpose_lhs_hint = false} : vector<2560x128xbf16>, vector<128x256xbf16>, vector<2560x256xf32> -> vector<2560x256xf32>
    %get3A_7 = arith.constant 0 : index
    %get3A_8 = arith.constant 0 : index
    %get3A_9 = vector.load %arg2[%get3A_7, %get3A_8] : memref<2560x16xf32, #tpu.memory_space<vmem>>, vector<2560x16xf32>
    %convert_element_type3A_10 = arith.truncf %get3A_9 : vector<2560x16xf32> to vector<2560x16xbf16>
    %get3A_11 = arith.constant 0 : index
    %get3A_12 = arith.constant 0 : index
    %get3A_13 = vector.load %arg4[%get3A_11, %get3A_12] : memref<16x256xf32, #tpu.memory_space<vmem>>, vector<16x256xf32>
    %convert_element_type3A_14 = arith.truncf %get3A_13 : vector<16x256xf32> to vector<16x256xbf16>
    %dot_general3A_15 = arith.constant dense<0.000000e+00> : vector<2560x256xf32>
    %dot_general3A_16 = tpu.matmul %convert_element_type3A_10, %convert_element_type3A_14, %dot_general3A_15 {dimension_numbers = #tpu.dot_dimension_numbers<[1], [0], [0], [1], [0, 0, 1, 1], [], []>, transpose_lhs_hint = false} : vector<2560x16xbf16>, vector<16x256xbf16>, vector<2560x256xf32> -> vector<2560x256xf32>
    %add3A = arith.addf %dot_general3A_6, %dot_general3A_16 : vector<2560x256xf32>
    %get3A_17 = arith.constant 0 : index
    %get3A_18 = arith.constant 0 : index
    %get3A_19 = vector.load %arg5[%get3A_17, %get3A_18] : memref<1x256xf32, #tpu.memory_space<vmem>>, vector<1x256xf32>
    %add3A_20 = vector.broadcast %get3A_19 : vector<1x256xf32> to vector<2560x256xf32>
    %add3A_21 = arith.addf %add3A, %add3A_20 : vector<2560x256xf32>
    %max3A = arith.constant 0.000000e+00 : f32
    %max3A_22 = vector.broadcast %max3A : f32 to vector<2560x256xf32>
    %max3A_23 = arith.maximumf %add3A_21, %max3A_22 : vector<2560x256xf32>
    %convert_element_type3A_24 = arith.truncf %max3A_23 : vector<2560x256xf32> to vector<2560x256xbf16>
    %get3A_25 = arith.constant 0 : index
    %get3A_26 = arith.constant 0 : index
    %get3A_27 = vector.load %arg6[%get3A_25, %get3A_26] : memref<256x256xf32, #tpu.memory_space<vmem>>, vector<256x256xf32>
    %convert_element_type3A_28 = arith.truncf %get3A_27 : vector<256x256xf32> to vector<256x256xbf16>
    %dot_general3A_29 = arith.constant dense<0.000000e+00> : vector<2560x256xf32>
    %dot_general3A_30 = tpu.matmul %convert_element_type3A_24, %convert_element_type3A_28, %dot_general3A_29 {dimension_numbers = #tpu.dot_dimension_numbers<[1], [0], [0], [1], [0, 0, 1, 1], [], []>, transpose_lhs_hint = false} : vector<2560x256xbf16>, vector<256x256xbf16>, vector<2560x256xf32> -> vector<2560x256xf32>
    %get3A_31 = arith.constant 0 : index
    %get3A_32 = arith.constant 0 : index
    %get3A_33 = vector.load %arg7[%get3A_31, %get3A_32] : memref<1x256xf32, #tpu.memory_space<vmem>>, vector<1x256xf32>
    %add3A_34 = vector.broadcast %get3A_33 : vector<1x256xf32> to vector<2560x256xf32>
    %add3A_35 = arith.addf %dot_general3A_30, %add3A_34 : vector<2560x256xf32>
    %max3A_36 = arith.constant 0.000000e+00 : f32
    %max3A_37 = vector.broadcast %max3A_36 : f32 to vector<2560x256xf32>
    %max3A_38 = arith.maximumf %add3A_35, %max3A_37 : vector<2560x256xf32>
    %convert_element_type3A_39 = arith.truncf %max3A_38 : vector<2560x256xf32> to vector<2560x256xbf16>
    %get3A_40 = arith.constant 0 : index
    %get3A_41 = arith.constant 0 : index
    %get3A_42 = vector.load %arg8[%get3A_40, %get3A_41] : memref<256x128xf32, #tpu.memory_space<vmem>>, vector<256x128xf32>
    %convert_element_type3A_43 = arith.truncf %get3A_42 : vector<256x128xf32> to vector<256x128xbf16>
    %dot_general3A_44 = arith.constant dense<0.000000e+00> : vector<2560x128xf32>
    %dot_general3A_45 = tpu.matmul %convert_element_type3A_39, %convert_element_type3A_43, %dot_general3A_44 {dimension_numbers = #tpu.dot_dimension_numbers<[1], [0], [0], [1], [0, 0, 1, 1], [], []>, transpose_lhs_hint = false} : vector<2560x256xbf16>, vector<256x128xbf16>, vector<2560x128xf32> -> vector<2560x128xf32>
    %get3A_46 = arith.constant 0 : index
    %get3A_47 = arith.constant 0 : index
    %get3A_48 = vector.load %arg9[%get3A_46, %get3A_47] : memref<1x128xf32, #tpu.memory_space<vmem>>, vector<1x128xf32>
    %add3A_49 = vector.broadcast %get3A_48 : vector<1x128xf32> to vector<2560x128xf32>
    %add3A_50 = arith.addf %dot_general3A_45, %add3A_49 : vector<2560x128xf32>
    %swap3A = arith.constant 0 : index
    %swap3A_51 = arith.constant 0 : index
    %swap3A_52 = vector.load %arg10[%swap3A, %swap3A_51] : memref<2560x128xf32, #tpu.memory_space<vmem>>, vector<2560x128xf32>
    tpu.vector_store %arg10[%swap3A, %swap3A_51], %add3A_50 {strides = array<i32>} : memref<2560x128xf32, #tpu.memory_space<vmem>>, vector<2560x128xf32>,
    return
  }
  func.func @transform_0(%arg0: i32) -> (i32, i32) {
    %c0_i32 = arith.constant 0 : i32
    %c0_i32_0 = arith.constant 0 : i32
    return %arg0, %c0_i32 : i32, i32
  }
  func.func @transform_1(%arg0: i32) -> (i32, i32) {
    %c0_i32 = arith.constant 0 : i32
    %c0_i32_0 = arith.constant 0 : i32
    return %arg0, %c0_i32 : i32, i32
  }
  func.func @transform_2(%arg0: i32) -> (i32, i32) {
    %c0_i32 = arith.constant 0 : i32
    %c0_i32_0 = arith.constant 0 : i32
    %c0_i32_1 = arith.constant 0 : i32
    return %c0_i32, %c0_i32_0 : i32, i32
  }
  func.func @transform_3(%arg0: i32) -> (i32, i32) {
    %c0_i32 = arith.constant 0 : i32
    %c0_i32_0 = arith.constant 0 : i32
    %c0_i32_1 = arith.constant 0 : i32
    return %c0_i32, %c0_i32_0 : i32, i32
  }
  func.func @transform_4(%arg0: i32) -> (i32, i32) {
    %c0_i32 = arith.constant 0 : i32
    %c0_i32_0 = arith.constant 0 : i32
    %c0_i32_1 = arith.constant 0 : i32
    return %c0_i32, %c0_i32_0 : i32, i32
  }
  func.func @transform_5(%arg0: i32) -> (i32, i32) {
    %c0_i32 = arith.constant 0 : i32
    %c0_i32_0 = arith.constant 0 : i32
    %c0_i32_1 = arith.constant 0 : i32
    return %c0_i32, %c0_i32_0 : i32, i32
  }
  func.func @transform_6(%arg0: i32) -> (i32, i32) {
    %c0_i32 = arith.constant 0 : i32
    %c0_i32_0 = arith.constant 0 : i32
    %c0_i32_1 = arith.constant 0 : i32
    return %c0_i32, %c0_i32_0 : i32, i32
  }
  func.func @transform_7(%arg0: i32) -> (i32, i32) {
    %c0_i32 = arith.constant 0 : i32
    %c0_i32_0 = arith.constant 0 : i32
    %c0_i32_1 = arith.constant 0 : i32
    return %c0_i32, %c0_i32_0 : i32, i32
  }
  func.func @transform_8(%arg0: i32) -> (i32, i32) {
    %c0_i32 = arith.constant 0 : i32
    %c0_i32_0 = arith.constant 0 : i32
    %c0_i32_1 = arith.constant 0 : i32
    return %c0_i32, %c0_i32_0 : i32, i32
  }
  func.func @transform_9(%arg0: i32) -> (i32, i32) {
    %c0_i32 = arith.constant 0 : i32
    %c0_i32_0 = arith.constant 0 : i32
    return %arg0, %c0_i32 : i32, i32
  }
}

module attributes {stable_mosaic.version = 14 : i64} {
  func.func @_node_mlp_body(%arg0: i32, %arg1: memref<2000x128xf32, #tpu.memory_space<vmem>>, %arg2: memref<2x2000x128xf32, #tpu.memory_space<vmem>>, %arg3: memref<2x2000x128xf32, #tpu.memory_space<vmem>>, %arg4: memref<2000x1xf32, #tpu.memory_space<vmem>>, %arg5: memref<1x16xf32, #tpu.memory_space<vmem>>, %arg6: memref<128x256xf32, #tpu.memory_space<vmem>>, %arg7: memref<128x256xf32, #tpu.memory_space<vmem>>, %arg8: memref<1x256xf32, #tpu.memory_space<vmem>>, %arg9: memref<1x256xf32, #tpu.memory_space<vmem>>, %arg10: memref<256x128xf32, #tpu.memory_space<vmem>>, %arg11: memref<1x128xf32, #tpu.memory_space<vmem>>, %arg12: memref<2000x128xf32, #tpu.memory_space<vmem>>) attributes {dimension_semantics = [#tpu.dimension_semantics<arbitrary>], iteration_bounds = array<i64: 5>, scalar_prefetch = 0 : i64, scratch_operands = 0 : i64, tpu.core_type = #tpu.core_type<tc>, window_params = [{transform_indices = @transform_0, window_bounds = array<i64: 2000, 128>}, {transform_indices = @transform_1, window_bounds = array<i64: 2, 2000, 128>}, {transform_indices = @transform_2, window_bounds = array<i64: 2, 2000, 128>}, {transform_indices = @transform_3, window_bounds = array<i64: 2000, 1>}, {pipeline_mode = #tpu.pipeline_mode<synchronous>, transform_indices = @transform_4, window_bounds = array<i64: 1, 16>}, {pipeline_mode = #tpu.pipeline_mode<synchronous>, transform_indices = @transform_5, window_bounds = array<i64: 128, 256>}, {pipeline_mode = #tpu.pipeline_mode<synchronous>, transform_indices = @transform_6, window_bounds = array<i64: 128, 256>}, {pipeline_mode = #tpu.pipeline_mode<synchronous>, transform_indices = @transform_7, window_bounds = array<i64: 1, 256>}, {pipeline_mode = #tpu.pipeline_mode<synchronous>, transform_indices = @transform_8, window_bounds = array<i64: 1, 256>}, {pipeline_mode = #tpu.pipeline_mode<synchronous>, transform_indices = @transform_9, window_bounds = array<i64: 256, 128>}, {pipeline_mode = #tpu.pipeline_mode<synchronous>, transform_indices = @transform_10, window_bounds = array<i64: 1, 128>}, {transform_indices = @transform_11, window_bounds = array<i64: 2000, 128>}]} {
    %get3A = arith.constant 0 : index
    %get3A_0 = arith.constant 0 : index
    %get3A_1 = arith.constant 0 : index
    %get3A_2 = vector.load %arg2[%get3A, %get3A_0, %get3A_1] : memref<2x2000x128xf32, #tpu.memory_space<vmem>>, vector<1x2000x128xf32>
    %get3A_3 = vector.shape_cast %get3A_2 : vector<1x2000x128xf32> to vector<2000x128xf32>
    %get3A_4 = arith.constant 1 : index
    %get3A_5 = arith.constant 0 : index
    %get3A_6 = arith.constant 0 : index
    %get3A_7 = vector.load %arg2[%get3A_4, %get3A_5, %get3A_6] : memref<2x2000x128xf32, #tpu.memory_space<vmem>>, vector<1x2000x128xf32>
    %get3A_8 = vector.shape_cast %get3A_7 : vector<1x2000x128xf32> to vector<2000x128xf32>
    %add3A = arith.addf %get3A_3, %get3A_8 : vector<2000x128xf32>
    %get3A_9 = arith.constant 0 : index
    %get3A_10 = arith.constant 0 : index
    %get3A_11 = arith.constant 0 : index
    %get3A_12 = vector.load %arg3[%get3A_9, %get3A_10, %get3A_11] : memref<2x2000x128xf32, #tpu.memory_space<vmem>>, vector<1x2000x1xf32>
    %get3A_13 = vector.shape_cast %get3A_12 : vector<1x2000x1xf32> to vector<2000x1xf32>
    %get3A_14 = arith.constant 1 : index
    %get3A_15 = arith.constant 0 : index
    %get3A_16 = arith.constant 0 : index
    %get3A_17 = vector.load %arg3[%get3A_14, %get3A_15, %get3A_16] : memref<2x2000x128xf32, #tpu.memory_space<vmem>>, vector<1x2000x1xf32>
    %get3A_18 = vector.shape_cast %get3A_17 : vector<1x2000x1xf32> to vector<2000x1xf32>
    %add3A_19 = arith.addf %get3A_13, %get3A_18 : vector<2000x1xf32>
    %max3A = arith.constant 1.000000e+00 : f32
    %max3A_20 = vector.broadcast %max3A : f32 to vector<2000x1xf32>
    %max3A_21 = arith.maximumf %add3A_19, %max3A_20 : vector<2000x1xf32>
    %div3A = vector.broadcast %max3A_21 : vector<2000x1xf32> to vector<2000x128xf32>
    %div3A_22 = arith.divf %add3A, %div3A : vector<2000x128xf32>
    %iota3A = tpu.iota {dimensions = array<i32: 1>} : vector<1x16xi32>
    %convert_element_type3A = arith.sitofp %iota3A : vector<1x16xi32> to vector<1x16xf32>
    %get3A_23 = arith.constant 0 : index
    %get3A_24 = arith.constant 0 : index
    %get3A_25 = vector.load %arg4[%get3A_23, %get3A_24] : memref<2000x1xf32, #tpu.memory_space<vmem>>, vector<2000x1xf32>
    %eq3A = vector.broadcast %get3A_25 : vector<2000x1xf32> to vector<2000x16xf32>
    %eq3A_26 = vector.broadcast %convert_element_type3A : vector<1x16xf32> to vector<2000x16xf32>
    %eq3A_27 = arith.cmpf oeq, %eq3A, %eq3A_26 : vector<2000x16xf32>
    %convert_element_type3A_28 = arith.extui %eq3A_27 : vector<2000x16xi1> to vector<2000x16xi32>
    %convert_element_type3A_29 = arith.sitofp %convert_element_type3A_28 : vector<2000x16xi32> to vector<2000x16xf32>
    %get3A_30 = arith.constant 0 : index
    %get3A_31 = arith.constant 0 : index
    %get3A_32 = vector.load %arg5[%get3A_30, %get3A_31] : memref<1x16xf32, #tpu.memory_space<vmem>>, vector<1x16xf32>
    %mul3A = vector.broadcast %get3A_32 : vector<1x16xf32> to vector<2000x16xf32>
    %mul3A_33 = arith.mulf %convert_element_type3A_29, %mul3A : vector<2000x16xf32>
    %reduce_sum3A = arith.constant dense<0.000000e+00> : vector<2000xf32>
    %reduce_sum3A_34 = vector.multi_reduction <add>, %mul3A_33, %reduce_sum3A [1] : vector<2000x16xf32> to vector<2000xf32>
    %broadcast_in_dim3A = vector.shape_cast %reduce_sum3A_34 : vector<2000xf32> to vector<2000x1xf32>
    %get3A_35 = arith.constant 0 : index
    %get3A_36 = arith.constant 0 : index
    %get3A_37 = vector.load %arg1[%get3A_35, %get3A_36] : memref<2000x128xf32, #tpu.memory_space<vmem>>, vector<2000x128xf32>
    %get3A_38 = arith.constant 0 : index
    %get3A_39 = arith.constant 0 : index
    %get3A_40 = vector.load %arg6[%get3A_38, %get3A_39] : memref<128x256xf32, #tpu.memory_space<vmem>>, vector<128x256xf32>
    %dot_general3A = arith.constant dense<0.000000e+00> : vector<2000x256xf32>
    %dot_general3A_41 = tpu.matmul %get3A_37, %get3A_40, %dot_general3A {dimension_numbers = #tpu.dot_dimension_numbers<[1], [0], [0], [1], [0, 0, 1, 1], [], []>, transpose_lhs_hint = false} : vector<2000x128xf32>, vector<128x256xf32>, vector<2000x256xf32> -> vector<2000x256xf32>
    %get3A_42 = arith.constant 0 : index
    %get3A_43 = arith.constant 0 : index
    %get3A_44 = vector.load %arg7[%get3A_42, %get3A_43] : memref<128x256xf32, #tpu.memory_space<vmem>>, vector<128x256xf32>
    %dot_general3A_45 = arith.constant dense<0.000000e+00> : vector<2000x256xf32>
    %dot_general3A_46 = tpu.matmul %div3A_22, %get3A_44, %dot_general3A_45 {dimension_numbers = #tpu.dot_dimension_numbers<[1], [0], [0], [1], [0, 0, 1, 1], [], []>, transpose_lhs_hint = false} : vector<2000x128xf32>, vector<128x256xf32>, vector<2000x256xf32> -> vector<2000x256xf32>
    %add3A_47 = arith.addf %dot_general3A_41, %dot_general3A_46 : vector<2000x256xf32>
    %get3A_48 = arith.constant 0 : index
    %get3A_49 = arith.constant 0 : index
    %get3A_50 = vector.load %arg8[%get3A_48, %get3A_49] : memref<1x256xf32, #tpu.memory_space<vmem>>, vector<1x256xf32>
    %mul3A_51 = vector.broadcast %broadcast_in_dim3A : vector<2000x1xf32> to vector<2000x256xf32>
    %mul3A_52 = vector.broadcast %get3A_50 : vector<1x256xf32> to vector<2000x256xf32>
    %mul3A_53 = arith.mulf %mul3A_51, %mul3A_52 : vector<2000x256xf32>
    %add3A_54 = arith.addf %add3A_47, %mul3A_53 : vector<2000x256xf32>
    %get3A_55 = arith.constant 0 : index
    %get3A_56 = arith.constant 0 : index
    %get3A_57 = vector.load %arg9[%get3A_55, %get3A_56] : memref<1x256xf32, #tpu.memory_space<vmem>>, vector<1x256xf32>
    %add3A_58 = vector.broadcast %get3A_57 : vector<1x256xf32> to vector<2000x256xf32>
    %add3A_59 = arith.addf %add3A_54, %add3A_58 : vector<2000x256xf32>
    %max3A_60 = arith.constant 0.000000e+00 : f32
    %max3A_61 = vector.broadcast %max3A_60 : f32 to vector<2000x256xf32>
    %max3A_62 = arith.maximumf %add3A_59, %max3A_61 : vector<2000x256xf32>
    %get3A_63 = arith.constant 0 : index
    %get3A_64 = arith.constant 0 : index
    %get3A_65 = vector.load %arg10[%get3A_63, %get3A_64] : memref<256x128xf32, #tpu.memory_space<vmem>>, vector<256x128xf32>
    %dot_general3A_66 = arith.constant dense<0.000000e+00> : vector<2000x128xf32>
    %dot_general3A_67 = tpu.matmul %max3A_62, %get3A_65, %dot_general3A_66 {dimension_numbers = #tpu.dot_dimension_numbers<[1], [0], [0], [1], [0, 0, 1, 1], [], []>, transpose_lhs_hint = false} : vector<2000x256xf32>, vector<256x128xf32>, vector<2000x128xf32> -> vector<2000x128xf32>
    %get3A_68 = arith.constant 0 : index
    %get3A_69 = arith.constant 0 : index
    %get3A_70 = vector.load %arg11[%get3A_68, %get3A_69] : memref<1x128xf32, #tpu.memory_space<vmem>>, vector<1x128xf32>
    %add3A_71 = vector.broadcast %get3A_70 : vector<1x128xf32> to vector<2000x128xf32>
    %add3A_72 = arith.addf %dot_general3A_67, %add3A_71 : vector<2000x128xf32>
    %swap3A = arith.constant 0 : index
    %swap3A_73 = arith.constant 0 : index
    %swap3A_74 = vector.load %arg12[%swap3A, %swap3A_73] : memref<2000x128xf32, #tpu.memory_space<vmem>>, vector<2000x128xf32>
    tpu.vector_store %arg12[%swap3A, %swap3A_73], %add3A_72 {strides = array<i32>} : memref<2000x128xf32, #tpu.memory_space<vmem>>, vector<2000x128xf32>,
    return
  }
  func.func @transform_0(%arg0: i32) -> (i32, i32) {
    %c0_i32 = arith.constant 0 : i32
    %c0_i32_0 = arith.constant 0 : i32
    return %arg0, %c0_i32 : i32, i32
  }
  func.func @transform_1(%arg0: i32) -> (i32, i32, i32) {
    %c0_i32 = arith.constant 0 : i32
    %c0_i32_0 = arith.constant 0 : i32
    %c0_i32_1 = arith.constant 0 : i32
    return %c0_i32, %arg0, %c0_i32_0 : i32, i32, i32
  }
  func.func @transform_2(%arg0: i32) -> (i32, i32, i32) {
    %c0_i32 = arith.constant 0 : i32
    %c0_i32_0 = arith.constant 0 : i32
    %c0_i32_1 = arith.constant 0 : i32
    return %c0_i32, %arg0, %c0_i32_0 : i32, i32, i32
  }
  func.func @transform_3(%arg0: i32) -> (i32, i32) {
    %c0_i32 = arith.constant 0 : i32
    %c0_i32_0 = arith.constant 0 : i32
    return %arg0, %c0_i32 : i32, i32
  }
  func.func @transform_4(%arg0: i32) -> (i32, i32) {
    %c0_i32 = arith.constant 0 : i32
    %c0_i32_0 = arith.constant 0 : i32
    %c0_i32_1 = arith.constant 0 : i32
    return %c0_i32, %c0_i32_0 : i32, i32
  }
  func.func @transform_5(%arg0: i32) -> (i32, i32) {
    %c0_i32 = arith.constant 0 : i32
    %c0_i32_0 = arith.constant 0 : i32
    %c0_i32_1 = arith.constant 0 : i32
    return %c0_i32, %c0_i32_0 : i32, i32
  }
  func.func @transform_6(%arg0: i32) -> (i32, i32) {
    %c0_i32 = arith.constant 0 : i32
    %c0_i32_0 = arith.constant 0 : i32
    %c0_i32_1 = arith.constant 0 : i32
    return %c0_i32, %c0_i32_0 : i32, i32
  }
  func.func @transform_7(%arg0: i32) -> (i32, i32) {
    %c0_i32 = arith.constant 0 : i32
    %c0_i32_0 = arith.constant 0 : i32
    %c0_i32_1 = arith.constant 0 : i32
    return %c0_i32, %c0_i32_0 : i32, i32
  }
  func.func @transform_8(%arg0: i32) -> (i32, i32) {
    %c0_i32 = arith.constant 0 : i32
    %c0_i32_0 = arith.constant 0 : i32
    %c0_i32_1 = arith.constant 0 : i32
    return %c0_i32, %c0_i32_0 : i32, i32
  }
  func.func @transform_9(%arg0: i32) -> (i32, i32) {
    %c0_i32 = arith.constant 0 : i32
    %c0_i32_0 = arith.constant 0 : i32
    %c0_i32_1 = arith.constant 0 : i32
    return %c0_i32, %c0_i32_0 : i32, i32
  }
  func.func @transform_10(%arg0: i32) -> (i32, i32) {
    %c0_i32 = arith.constant 0 : i32
    %c0_i32_0 = arith.constant 0 : i32
    %c0_i32_1 = arith.constant 0 : i32
    return %c0_i32, %c0_i32_0 : i32, i32
  }
  func.func @transform_11(%arg0: i32) -> (i32, i32) {
    %c0_i32 = arith.constant 0 : i32
    %c0_i32_0 = arith.constant 0 : i32
    return %arg0, %c0_i32 : i32, i32
  }
}

</mosaic_0001>

<sc_bundles>
// kernel: kernel.10.cloned.1.call-start
scs
__scs_entry_jumppad:
0x0: {  	(pc) =	sbr.rel $0x88, $3  }
0x1: {  	(tag) =	ssettag $0x0;
	lr =	simm.s32 $0x1  }
0x2: {  	[smem:$0x3F92] =	sst lr;
	_ =	strace $0xD0000000  }
0x3: {  	_ = 	snop  }
0x4: {  	_ = 	snop  }
0x5: {  	_ = 	snop  }
0x6: {  	_ = 	snop  }
0x7: {  	_ = 	snop  }
__scs_overlays_trampoline_lowered:
0x8: {  	[smem:$0x3FA1] =	sst s0  }
0x9: {  	[smem:$0x3FA2] =	sst s1  }
0xa: {  	[smem:$0x3FA3] =	sst s2  }
0xb: {  	[smem:$0x3FA4] =	sst s3  }
0xc: {  	[smem:$0x3FA5] =	sst s4  }
0xd: {  	[smem:$0x3FA6] =	sst s5  }
0xe: {  	[smem:$0x3FA7] =	sst s6  }
0xf: {  	[smem:$0x3FA8] =	sst s7  }
0x10: {  	[smem:$0x3FA9] =	sst s8  }
0x11: {  	[smem:$0x3FAA] =	sst s9;
	s0 =	simm.s32 @!p0 $0x0  }
0x12: {  	s1 =	sld [smem:$0x3F90];
	s0 =	simm.s32 @p0 $0x1  }
0x13: {  	[smem:$0x3FAB] =	sst s0;
	s0 =	simm.s32 @!p1 $0x0  }
0x14: {  	s2 =	sld [smem:$0x3F8F];
	s0 =	simm.s32 @p1 $0x1  }
0x15: {  	[smem:$0x3FAC] =	sst s0;
	s0 =	simm.s32 @!p2 $0x0  }
0x16: {  	s3 =	sld [smem:$0x3FDB];
	s0 =	simm.s32 @p2 $0x1  }
0x17: {  	s4 =	simm.s32 $0x1BF5;
	[smem:$0x3FAE] =	sst s0  }
0x18: {  	s0 =	sld [smem:$0x3F91];
	_ =	swait.ge [sflag:s4], $0x0  }
0x19: {  	s7 =	sld [smem:$0x3F92]  }
0x1a: {  	s8 =	sadd.s32 $0xFFFFE003, lr  }
0x1b: {  	s9 =	sadd.s32 $0xFFFFFEF7, lr;
	s5 =	simm.s32 $0xFFFFFFFF;
	p2 =	slt.u32 s8, $0xFFFFF086  }
0x1c: {  	p1 =	slt.u32 s9, $0xF7A;
	s5 =	simm.s32 @!p2 $0x0  }
0x1d: {  	s5 =	simm.s32 @p1 $0x1;
	p0 =	seq.s32 s7, s2  }
0x1e: {  	s7 =	smul.u32 @!p0 $0xF7A, s2;
	p2 =	seq.s32 @!p0 s5, $0x0  }
0x1f: {  	s9 =	smul.u32 $0xF7A, s1;
	s8 =	simm.s32 @!p0 $0x1BF5;
	p2 =	por !p2, p0  }
0x20: {  	[sflag:s8] =	ssyncset.s32 @!p0 $0xFFFFF086;
	s6 =	sadd.s32 @!p0 s3, s7;
	s7 =	simm.s32 @!p0 $0x108  }
0x21: {  	s3 =	sadd.s32 s3, s9;
	s6 =	sadd.s32 @!p0 $0x88, s6;
	s7 =	simm.s32 @p2 $0x1082  }
0x22: {  	[simem:s7], [sflag:s8] =	dma.local @!p0 [hbm:s6], $0xF7A  }
0x23: {  	s9 =	sor.u32 $0xD0000000, s2;
	s6 =	simm.s32 $0x108;
	_ =	swait.ge @!p0 [sflag:s8], $0x0  }
0x24: {  	s3 =	sadd.s32 $0x88, s3;
	s6 =	simm.s32 @!p1 $0x1082;
	[sflag:s4] =	ssyncset.s32 $0xFFFFF086  }
0x25: {  	[simem:s6], [sflag:s4] =	dma.local [hbm:s3], $0xF7A  }
0x26: {  	[smem:$0x3F92] =	sst s1;
	(tag) =	ssettag s2;
	_ =	strace s9  }
0x27: {  	s1 =	sld [smem:$0x3FA2]  }
0x28: {  	s2 =	sld [smem:$0x3FA3]  }
0x29: {  	s4 =	sld [smem:$0x3FA5]  }
0x2a: {  	p0 =	seq.s32 s5, $0x0;
	s5 =	sld [smem:$0x3FA6]  }
0x2b: {  	s6 =	sld [smem:$0x3FA7]  }
0x2c: {  	s7 =	sld [smem:$0x3FA8]  }
0x2d: {  	s3 =	simm.s32 $0x108;
	s8 =	sld [smem:$0x3FA9]  }
0x2e: {  	s3 =	simm.s32 @!p0 $0x1082;
	s9 =	sld [smem:$0x3FAA]  }
0x2f: {  	lr =	sadd.s32 s0, s3;
	s0 =	sld [smem:$0x3FA1]  }
0x30: {  	s3 =	sld [smem:$0x3FA4]  }
0x31: {  	[smem:$0x3FAD] =	sst s10  }
0x32: {  	s10 =	sld [smem:$0x3FAB];
	_ =	sdelay $0x3  }
0x33: {  	p0 =	seq.s32 s10, $0x1;
	s10 =	sld [smem:$0x3FAD];
	_ =	sdelay $0x3  }
0x34: {  	[smem:$0x3FAD] =	sst s10  }
0x35: {  	s10 =	sld [smem:$0x3FAC];
	_ =	sdelay $0x3  }
0x36: {  	p1 =	seq.s32 s10, $0x1;
	s10 =	sld [smem:$0x3FAD];
	_ =	sdelay $0x3  }
0x37: {  	[smem:$0x3FAD] =	sst s10  }
0x38: {  	s10 =	sld [smem:$0x3FAE]  }
0x39: {  	_ = 	snop;
	(pc) =	sbr.ind lr, $3  }
0x3a: {  	_ = 	snop  }
0x3b: {  	_ = 	snop  }
0x3c: {  	p2 =	seq.s32 s10, $0x1;
	s10 =	sld [smem:$0x3FAD]  }
0x3d: {  	_ =	shalt  }
0x3e: {  	_ =	shalt  }
0x3f: {  	_ =	shalt  }
0x40: {  	_ =	shalt  }
0x41: {  	_ =	shalt  }
0x42: {  	_ =	shalt  }
0x43: {  	_ =	shalt  }
0x44: {  	_ =	shalt  }
0x45: {  	_ =	shalt  }
0x46: {  	_ =	shalt  }
0x47: {  	_ =	shalt  }
0x48: {  	_ =	shalt  }
0x49: {  	_ =	shalt  }
0x4a: {  	_ =	shalt  }
0x4b: {  	_ =	shalt  }
0x4c: {  	_ =	shalt  }
0x4d: {  	_ =	shalt  }
0x4e: {  	_ =	shalt  }
0x4f: {  	_ =	shalt  }
0x50: {  	_ =	shalt  }
0x51: {  	_ =	shalt  }
0x52: {  	_ =	shalt  }
0x53: {  	_ =	shalt  }
0x54: {  	_ =	shalt  }
0x55: {  	_ =	shalt  }
0x56: {  	_ =	shalt  }
0x57: {  	_ =	shalt  }
0x58: {  	_ =	shalt  }
0x59: {  	_ =	shalt  }
0x5a: {  	_ =	shalt  }
0x5b: {  	_ =	shalt  }
0x5c: {  	_ =	shalt  }
0x5d: {  	_ =	shalt  }
0x5e: {  	_ =	shalt  }
0x5f: {  	_ =	shalt  }
0x60: {  	_ =	shalt  }
0x61: {  	_ =	shalt  }
0x62: {  	_ =	shalt  }
0x63: {  	_ =	shalt  }
0x64: {  	_ =	shalt  }
0x65: {  	_ =	shalt  }
0x66: {  	_ =	shalt  }
0x67: {  	_ =	shalt  }
0x68: {  	_ =	shalt  }
0x69: {  	_ =	shalt  }
0x6a: {  	_ =	shalt  }
0x6b: {  	_ =	shalt  }
0x6c: {  	_ =	shalt  }
0x6d: {  	_ =	shalt  }
0x6e: {  	_ =	shalt  }
0x6f: {  	_ =	shalt  }
0x70: {  	_ =	shalt  }
0x71: {  	_ =	shalt  }
0x72: {  	_ =	shalt  }
0x73: {  	_ =	shalt  }
0x74: {  	_ =	shalt  }
0x75: {  	_ =	shalt  }
0x76: {  	_ =	shalt  }
0x77: {  	_ =	shalt  }
0x78: {  	_ =	shalt  }
0x79: {  	_ =	shalt  }
0x7a: {  	_ =	shalt  }
0x7b: {  	_ =	shalt  }
0x7c: {  	_ =	shalt  }
0x7d: {  	_ =	shalt  }
0x7e: {  	_ =	shalt  }
0x7f: {  	_ =	shalt  }
0x80: {  	_ =	shalt  }
0x81: {  	_ =	shalt  }
0x82: {  	_ =	shalt  }
0x83: {  	_ =	shalt  }
0x84: {  	_ =	shalt  }
0x85: {  	_ =	shalt  }
0x86: {  	_ =	shalt  }
0x87: {  	_ =	shalt  }
.Lfunc_end0:
.L_simem_size_0:
called_computation.1_lowered:
.L_overlay_start_0:
0x88: {  	s2 =	sld [smem:$0x3FD9]  }
0x89: {  	s3 =	sld [smem:$0x3FFE];
	_ =	sdelay $0x1  }
0x8a: {  	s1 =	srdreg.scid  }
0x8b: {  	s0 =	sand.u32 $0x1, s1  }
0x8c: {  	s17 =	sshll.u32 s0, $0xA;
	s2 =	sadd.s32 s3, s2  }
0x8d: {  	s2 =	sadd.s32 s2, s17  }
0x8e: {  	[smem:$0x3FB9] =	sst s2  }
0x8f: {  	_ = 	snop  }
0x90: {  	s18 =	sld [smem:$0x3FD0];
	(tm) =	ssettm $0x1  }
0x91: {  	s19 =	sld [smem:$0x3FFB];
	_ =	sdelay $0x3  }
0x92: {  	_ =	strace s19  }
0x93: {  	s2 =	sld [smem:$0x3FFC];
	_ =	sdelay $0x3  }
0x94: {  	_ =	strace s2  }
0x95: {  	s2 =	sld [smem:$0x3FFD];
	_ =	sdelay $0x3  }
0x96: {  	_ =	strace s2  }
0x97: {  	_ =	strace $0x8FFFFFFF  }
0x98: {  	s20 =	sld [smem:$0x3FDB];
	_ =	sdelay $0x1  }
0x99: {  	s4 =	simm.s32 $_scs_section_size  }
0x9a: {  	s5 =	simm.s32 $_size__tile_overlayer_lowered;
	s6 =	simm.s32 $_tile_overlayer_lowered  }
0x9b: {  	s7 =	simm.s32 $0x1BFF;
	s21 =	sshll.u32 s6, $0x1;
	s4 =	sadd.s32 s4, s20  }
0x9c: {  	s22 =	simm.s32 $0x0;
	s5 =	sshll.u32 s5, $0x1;
	s6 =	sadd.s32 s21, s4  }
0x9d: {  	[timem:s22], [sflag:s7] =	dma.local [hbm:s6], s5  }
0x9e: {  	_ =	swait.ge [sflag:s7], s5  }
0x9f: {  	s5 =	ssub.s32 $0x0, s5;
	[sflag:s7] =	ssyncset.done $0x0  }
0xa0: {  	[sflag:s7] =	ssyncadd.s32 s5;
	_ =	sdelay $0x1  }
0xa1: {  	s23 =	simm.s32 $0x1B8B  }
0xa2: {  	_ =	swait.ge [sflag:s23], $0x1  }
0xa3: {  	[sflag:s23] =	ssyncset.done $0x0  }
0xa4: {  	[sflag:s23] =	ssyncadd.s32 $0xFFFFFFFF  }
0xa5: {  	s5 =	sld [smem:$0x0]  }
0xa6: {  	s6 =	sand.u32 $0xFFFFFFFE, s1  }
0xa7: {  	p0 =	sne.s32 s1, s6  }
0xa8: {  	s6 =	sshll.u32 @p0 s6, $0xE  }
0xa9: {  	s6 =	sadd.s32 @p0 $0x11B8D, s6;
	s7 =	sshll.u32 @p0 s5, $0x11  }
0xaa: {  	s6 =	sor.u32 @p0 s7, s6  }
0xab: {  	[sflag:s6] =	ssyncadd.remote.s32 @p0 $0x1;
	_ =	sdelay $0x1  }
0xac: {  	s6 =	simm.s32 @p0 $0x1B8D  }
0xad: {  	_ =	swait.eq @p0 [sflag:s6], $0x1  }
0xae: {  	[sflag:s6] =	ssyncadd.s32 @p0 $0xFFFFFFFF  }
0xaf: {  	s7 =	sshll.u32 @!p0 s1, $0xE  }
0xb0: {  	s7 =	sor.u32 @!p0 $0x4000, s7;
	s6 =	simm.s32 @!p0 $0x1B8D  }
0xb1: {  	s5 =	sshll.u32 @!p0 s5, $0x11;
	s7 =	sadd.s32 @!p0 $0x11B8D, s7;
	_ =	swait.eq @!p0 [sflag:s6], $0x1  }
0xb2: {  	s5 =	sor.u32 @!p0 s5, s7;
	[sflag:s6] =	ssyncadd.s32 @!p0 $0xFFFFFFFF  }
0xb3: {  	s25 =	simm.s32 $0x1B8E;
	s24 =	sld [smem:$0x3FFE];
	[sflag:s5] =	ssyncadd.remote.s32 @!p0 $0x1  }
0xb4: {  	s26 =	simm.s32 $execute0_lowered;
	[smem:$0x3FD2] =	sst s25  }
0xb5: {  	s6 =	sshll.u32 s26, $0x1;
	_ =	strace $0x80000049;
	[dreg:$0x1] =	wrdreg $0xFFFFFFFF  }
0xb6: {  	s28 =	simm.s32 $_size_execute0_lowered;
	s4 =	sadd.s32 s4, s6;
	[dreg:$0x0] =	wrdreg $0x0  }
0xb7: {  	s6 =	sshll.u32 s28, $0x1;
	[dreg:$0x2] =	wrdreg s4  }
0xb8: {  	[dreg:$0x3] =	wrdreg s6  }
0xb9: {  	[dreg:$0x4] =	wrdreg $0xC0  }
0xba: {  	_ =	task [dreg:s22], $0x5FFFF  }
0xbb: {  	[dreg:$0x1] =	wrdreg $0xFFFFFFFF  }
0xbc: {  	[dreg:$0x0] =	wrdreg $0x60  }
0xbd: {  	[dreg:$0x2] =	wrdreg s18  }
0xbe: {  	[dreg:$0x3] =	wrdreg s24  }
0xbf: {  	[dreg:$0x4] =	wrdreg $0x20000  }
0xc0: {  	[dreg:$0x5] =	wrdreg $0x9  }
0xc1: {  	_ =	task.clear_ibuf [dreg:s22], $0x6FFFF;
	_ =	strace $0x90000049  }
0xc2: {  	s29 =	simm.s32 $0x9;
	_ =	strace $0x8000004B  }
0xc3: {  	_ =	swait.ge [sflag:s29], $0x1  }
0xc4: {  	[sflag:s29] =	ssyncadd.s32 $0xFFFFFFFF  }
0xc5: {  	_ =	strace $0x9000004B  }
0xc6: {  	_ =	sfence  }
0xc7: {  	s30 =	sld [smem:$0x0];
	_ =	sdelay $0x2  }
0xc8: {  	s31 =	sshll.u32 s1, $0xD;
	s1 =	sshrl.u32 s1, $0x2  }
0xc9: {  	s4 =	sand.u32 $0x4000, s31;
	s1 =	sadd.s32 s1, s30  }
0xca: {  	s0 =	sor.u32 s4, s0;
	s1 =	sshll.u32 s1, $0x11  }
0xcb: {  	s0 =	sor.u32 s1, s0  }
0xcc: {  	s0 =	sadd.s32 $0x8F2B, s0  }
0xcd: {  	[sflag:s0] =	ssyncadd.remote.s32 $0x1  }
0xce: {  	_ =	sfence.sel $0xFFFF  }
0xcf: {  	[dreg:$0x0] =	wrdreg $0xFFFFFFFF;
	(pc) =	sbr.abs _section_cstart, $3  }
0xd0: {  	[dreg:$0x1] =	wrdreg $0xFFFFFFFF  }
0xd1: {  	_ =	task.clear_ibuf [dreg:s22], $0x2FFFF;
	_ =	strace $0x9FFFFFFF  }
0xd2: {  	(tm) =	ssettm $0x7FFFFFFF  }
0xd3: {  	_ =	shalt  }
tec
execute0_lowered:
.L_overlay_start_1:
0x0: {  	(tag) =	ssettag $0x1  }
0x1: {  	s7 =	rddreg [dreg:$0x0]  }
0x2: {  	s5 =	rddreg [dreg:$0x1]  }
0x3: {  	s2 =	rddreg [dreg:$0x2]  }
0x4: {  	s0 =	rddreg [dreg:$0x3]  }
0x5: {  	s1 =	stileid.u32;
	s4 =	srdreg.scid;
	s3 =	simm.s32 $0x0  }
0x6: {  	s15 =	simm.s32 $0x100;
	s16 =	simm.s32 $0x180;
	s17 =	simm.s32 $0x200  }
0x7: {  	s18 =	simm.s32 $0x280;
	s19 =	simm.s32 $0x300;
	s6 =	smul.u32 $0x2800, s1  }
0x8: {  	s20 =	simm.s32 $0x380;
	s21 =	simm.s32 $0x0;
	s11 =	smul.u32 $0x50000, s1  }
0x9: {  	s8 =	sand.u32 $0x1, s4;
	[smem:$0x7FF] =	sst s3;
	s29 =	smul.u32 $0x1900, s1  }
0xa: {  	s30 =	sshll.u32 s1, $0x6;
	s4 =	smul.u32 $0x28000, s8;
	_ =	strace $0x8000004A  }
0xb: {  	s10 =	ssub.s32 $0x2, s8;
	s14 =	smul.u32 $0xC80, s8;
	s9 =	sadd.s32 s6, s5  }
0xc: {  	s26 =	sshrl.u32 s10, $0x1;
	s28 =	sshrl.u32 s11, $0x2;
	s31 =	sadd.s32 s29, s7  }
0xd: {  	s11 =	simm.s32 $0x1;
	s6 =	sadd.s32 s6, s4;
	s4 =	sadd.s32 $0x517400, s5  }
0xe: {  	s10 =	ssub.s32 s10, s26;
	s13 =	sadd.s32 s28, s2;
	s12 =	sadd.s32 s6, s5  }
0xf: {  	s5 =	sadd.s32 $0x4EF400, s9;
	s6 =	sor.u32 $0x1C01, s30;
	s8 =	smax.u32 s10, $0x1  }
0x10: {  	s9 =	sadd.s32 s14, s31;
	s10 =	sshrl.u32 s13, $0x3;
	s13 =	simm.s32 $0x32  }
0x11: {  	s14 =	simm.s32 $0x80;
	s7 =	sadd.s32 $0x517800, s12;
	s12 =	simm.s32 $0x400  }
.LBB2_1:
0x12: {  	[spmem:s10], [sflag:s6] =	dma.local [hbm:s5], $0x2800  }
0x13: {  	_ =	swait.ge [sflag:s11], $0x2800  }
0x14: {  	[sflag:s11] =	ssyncset.done $0x0  }
0x15: {  	[sflag:s11] =	ssyncadd.s32 $0xFFFFD800  }
0x16: {  	[tilespmem:s12], [sflag:$0x1] =	stream.linear.gather [hbm4b:s4+s3], $0x1900, $0x38;
	[tilespmem:$0x16000] =	vst v63  }
0x17: {  	_ =	swait.ge [sflag:s11], $0x1900  }
0x18: {  	[sflag:s11] =	ssyncset.done $0x0  }
0x19: {  	[sflag:s11] =	ssyncadd.s32 $0xFFFFE700  }
0x1a: {  	s22 =	sadd.s32 $0x0, s9;
	[bflag:$0x0] =	sbarrier.arrive $0xFFFF  }
0x1b: {  	[tilespmem:s3], [sflag:$0x1] =	stream.linear.gather [hbm4b:s22+s3], $0x400, $0x38;
	[tilespmem:$0x16000] =	vst v63  }
0x1c: {  	_ =	swait.ge [sflag:s11], $0x400  }
0x1d: {  	[sflag:s11] =	ssyncset.done $0x0  }
0x1e: {  	[sflag:s11] =	ssyncadd.s32 $0xFFFFFC00  }
0x1f: {  	[spmem:s2] =	stream.indirect.scatter.add.f32 [tilespmem:s12], [sflag:$0x1], $0x80, s3, s13, $0xb8;
	[tilespmem:$0x16000] =	vst v63  }
0x20: {  	_ =	swait.ge [sflag:s11], $0x1900  }
0x21: {  	[sflag:s11] =	ssyncset.done $0x0  }
0x22: {  	[sflag:s11] =	ssyncadd.s32 $0xFFFFE700  }
0x23: {  	[spmem:s2] =	stream.indirect.scatter.add.f32 [tilespmem:s12], [sflag:$0x1], $0x80, s14, s13, $0xb8;
	[tilespmem:$0x16000] =	vst v63  }
0x24: {  	_ =	swait.ge [sflag:s11], $0x1900  }
0x25: {  	[sflag:s11] =	ssyncset.done $0x0  }
0x26: {  	[sflag:s11] =	ssyncadd.s32 $0xFFFFE700  }
0x27: {  	[spmem:s2] =	stream.indirect.scatter.add.f32 [tilespmem:s12], [sflag:$0x1], $0x80, s15, s13, $0xb8;
	[tilespmem:$0x16000] =	vst v63  }
0x28: {  	_ =	swait.ge [sflag:s11], $0x1900  }
0x29: {  	[sflag:s11] =	ssyncset.done $0x0  }
0x2a: {  	[sflag:s11] =	ssyncadd.s32 $0xFFFFE700  }
0x2b: {  	[spmem:s2] =	stream.indirect.scatter.add.f32 [tilespmem:s12], [sflag:$0x1], $0x80, s16, s13, $0xb8;
	[tilespmem:$0x16000] =	vst v63  }
0x2c: {  	_ =	swait.ge [sflag:s11], $0x1900  }
0x2d: {  	[sflag:s11] =	ssyncset.done $0x0  }
0x2e: {  	[sflag:s11] =	ssyncadd.s32 $0xFFFFE700  }
0x2f: {  	[spmem:s2] =	stream.indirect.scatter.add.f32 [tilespmem:s12], [sflag:$0x1], $0x80, s17, s13, $0xb8;
	[tilespmem:$0x16000] =	vst v63  }
0x30: {  	_ =	swait.ge [sflag:s11], $0x1900  }
0x31: {  	[sflag:s11] =	ssyncset.done $0x0  }
0x32: {  	[sflag:s11] =	ssyncadd.s32 $0xFFFFE700  }
0x33: {  	[spmem:s2] =	stream.indirect.scatter.add.f32 [tilespmem:s12], [sflag:$0x1], $0x80, s18, s13, $0xb8;
	[tilespmem:$0x16000] =	vst v63  }
0x34: {  	_ =	swait.ge [sflag:s11], $0x1900  }
0x35: {  	[sflag:s11] =	ssyncset.done $0x0  }
0x36: {  	[sflag:s11] =	ssyncadd.s32 $0xFFFFE700  }
0x37: {  	[spmem:s2] =	stream.indirect.scatter.add.f32 [tilespmem:s12], [sflag:$0x1], $0x80, s19, s13, $0xb8;
	[tilespmem:$0x16000] =	vst v63  }
0x38: {  	_ =	swait.ge [sflag:s11], $0x1900  }
0x39: {  	[sflag:s11] =	ssyncset.done $0x0  }
0x3a: {  	[sflag:s11] =	ssyncadd.s32 $0xFFFFE700  }
0x3b: {  	[spmem:s2] =	stream.indirect.scatter.add.f32 [tilespmem:s12], [sflag:$0x1], $0x80, s20, s13, $0xb8;
	[tilespmem:$0x16000] =	vst v63  }
0x3c: {  	_ =	swait.ge [sflag:s11], $0x1900  }
0x3d: {  	s24 =	simm.s32 $0x100;
	s22 =	simm.s32 $0x80;
	[sflag:s11] =	ssyncset.done $0x0  }
.LBB2_2:
0x3e: {  	s25 =	sadd.s32 s22, s9  }
0x3f: {  	[sflag:s11] =	ssyncadd.s32 $0xFFFFE700;
	s22 =	smov.u32 s24;
	s23 =	sadd.s32 $0x80, s24  }
0x40: {  	[tilespmem:s3], [sflag:$0x1] =	stream.linear.gather [hbm4b:s25+s3], $0x400, $0x38;
	[tilespmem:$0x16000] =	vst v63  }
0x41: {  	p0 =	sne.s32 s24, $0xC00;
	_ =	swait.ge [sflag:s11], $0x400  }
0x42: {  	[sflag:s11] =	ssyncset.done $0x0  }
0x43: {  	[sflag:s11] =	ssyncadd.s32 $0xFFFFFC00  }
0x44: {  	[spmem:s2] =	stream.indirect.scatter.add.f32 [tilespmem:s12], [sflag:$0x1], $0x80, s3, s13, $0xb8;
	[tilespmem:$0x16000] =	vst v63  }
0x45: {  	_ =	swait.ge [sflag:s11], $0x1900  }
0x46: {  	[sflag:s11] =	ssyncset.done $0x0  }
0x47: {  	[sflag:s11] =	ssyncadd.s32 $0xFFFFE700  }
0x48: {  	[spmem:s2] =	stream.indirect.scatter.add.f32 [tilespmem:s12], [sflag:$0x1], $0x80, s14, s13, $0xb8;
	[tilespmem:$0x16000] =	vst v63  }
0x49: {  	_ =	swait.ge [sflag:s11], $0x1900  }
0x4a: {  	[sflag:s11] =	ssyncset.done $0x0  }
0x4b: {  	[sflag:s11] =	ssyncadd.s32 $0xFFFFE700  }
0x4c: {  	[spmem:s2] =	stream.indirect.scatter.add.f32 [tilespmem:s12], [sflag:$0x1], $0x80, s15, s13, $0xb8;
	[tilespmem:$0x16000] =	vst v63  }
0x4d: {  	_ =	swait.ge [sflag:s11], $0x1900  }
0x4e: {  	[sflag:s11] =	ssyncset.done $0x0  }
0x4f: {  	[sflag:s11] =	ssyncadd.s32 $0xFFFFE700  }
0x50: {  	[spmem:s2] =	stream.indirect.scatter.add.f32 [tilespmem:s12], [sflag:$0x1], $0x80, s16, s13, $0xb8;
	[tilespmem:$0x16000] =	vst v63  }
0x51: {  	_ =	swait.ge [sflag:s11], $0x1900  }
0x52: {  	[sflag:s11] =	ssyncset.done $0x0  }
0x53: {  	[sflag:s11] =	ssyncadd.s32 $0xFFFFE700  }
0x54: {  	[spmem:s2] =	stream.indirect.scatter.add.f32 [tilespmem:s12], [sflag:$0x1], $0x80, s17, s13, $0xb8;
	[tilespmem:$0x16000] =	vst v63  }
0x55: {  	_ =	swait.ge [sflag:s11], $0x1900  }
0x56: {  	[sflag:s11] =	ssyncset.done $0x0  }
0x57: {  	[sflag:s11] =	ssyncadd.s32 $0xFFFFE700  }
0x58: {  	[spmem:s2] =	stream.indirect.scatter.add.f32 [tilespmem:s12], [sflag:$0x1], $0x80, s18, s13, $0xb8;
	[tilespmem:$0x16000] =	vst v63  }
0x59: {  	_ =	swait.ge [sflag:s11], $0x1900  }
0x5a: {  	[sflag:s11] =	ssyncset.done $0x0  }
0x5b: {  	[sflag:s11] =	ssyncadd.s32 $0xFFFFE700  }
0x5c: {  	[spmem:s2] =	stream.indirect.scatter.add.f32 [tilespmem:s12], [sflag:$0x1], $0x80, s19, s13, $0xb8;
	[tilespmem:$0x16000] =	vst v63  }
0x5d: {  	_ =	swait.ge [sflag:s11], $0x1900  }
.Ltmp0:
0x5e: {  	[sflag:s11] =	ssyncset.done $0x0;
	(pc) =	sbr.rel @p0 .LBB2_2-.Ltmp0, $4  }
0x5f: {  	[sflag:s11] =	ssyncadd.s32 $0xFFFFE700  }
0x60: {  	[spmem:s2] =	stream.indirect.scatter.add.f32 [tilespmem:s12], [sflag:$0x1], $0x80, s20, s13, $0xb8;
	[tilespmem:$0x16000] =	vst v63  }
0x61: {  	_ =	swait.ge [sflag:s11], $0x1900  }
0x62: {  	s24 =	smov.u32 s23;
	[sflag:s11] =	ssyncset.done $0x0  }
0x63: {  	s22 =	sadd.s32 s22, s9;
	[sflag:s11] =	ssyncadd.s32 $0xFFFFE700  }
0x64: {  	[tilespmem:s3], [sflag:$0x1] =	stream.linear.gather [hbm4b:s22+s3], $0x400, $0x38;
	[tilespmem:$0x16000] =	vst v63  }
0x65: {  	_ =	swait.ge [sflag:s11], $0x400  }
0x66: {  	[sflag:s11] =	ssyncset.done $0x0  }
0x67: {  	[sflag:s11] =	ssyncadd.s32 $0xFFFFFC00  }
0x68: {  	[spmem:s2] =	stream.indirect.scatter.add.f32 [tilespmem:s12], [sflag:$0x1], $0x80, s3, s13, $0xb8;
	[tilespmem:$0x16000] =	vst v63  }
0x69: {  	_ =	swait.ge [sflag:s11], $0x1900  }
0x6a: {  	[sflag:s11] =	ssyncset.done $0x0  }
0x6b: {  	[sflag:s11] =	ssyncadd.s32 $0xFFFFE700  }
0x6c: {  	[spmem:s2] =	stream.indirect.scatter.add.f32 [tilespmem:s12], [sflag:$0x1], $0x80, s14, s13, $0xb8;
	[tilespmem:$0x16000] =	vst v63  }
0x6d: {  	_ =	swait.ge [sflag:s11], $0x1900  }
0x6e: {  	[sflag:s11] =	ssyncset.done $0x0  }
0x6f: {  	[sflag:s11] =	ssyncadd.s32 $0xFFFFE700  }
0x70: {  	[spmem:s2] =	stream.indirect.scatter.add.f32 [tilespmem:s12], [sflag:$0x1], $0x80, s15, s13, $0xb8;
	[tilespmem:$0x16000] =	vst v63  }
0x71: {  	_ =	swait.ge [sflag:s11], $0x1900  }
0x72: {  	[sflag:s11] =	ssyncset.done $0x0  }
0x73: {  	[sflag:s11] =	ssyncadd.s32 $0xFFFFE700  }
0x74: {  	[spmem:s2] =	stream.indirect.scatter.add.f32 [tilespmem:s12], [sflag:$0x1], $0x80, s16, s13, $0xb8;
	[tilespmem:$0x16000] =	vst v63  }
0x75: {  	_ =	swait.ge [sflag:s11], $0x1900  }
0x76: {  	[sflag:s11] =	ssyncset.done $0x0  }
0x77: {  	[sflag:s11] =	ssyncadd.s32 $0xFFFFE700  }
0x78: {  	[spmem:s2] =	stream.indirect.scatter.add.f32 [tilespmem:s12], [sflag:$0x1], $0x80, s17, s13, $0xb8;
	[tilespmem:$0x16000] =	vst v63  }
0x79: {  	_ =	swait.ge [sflag:s11], $0x1900  }
0x7a: {  	[sflag:s11] =	ssyncset.done $0x0  }
0x7b: {  	[sflag:s11] =	ssyncadd.s32 $0xFFFFE700  }
0x7c: {  	[spmem:s2] =	stream.indirect.scatter.add.f32 [tilespmem:s12], [sflag:$0x1], $0x80, s18, s13, $0xb8;
	[tilespmem:$0x16000] =	vst v63  }
0x7d: {  	_ =	swait.ge [sflag:s11], $0x1900  }
0x7e: {  	[sflag:s11] =	ssyncset.done $0x0  }
0x7f: {  	[sflag:s11] =	ssyncadd.s32 $0xFFFFE700  }
0x80: {  	[spmem:s2] =	stream.indirect.scatter.add.f32 [tilespmem:s12], [sflag:$0x1], $0x80, s19, s13, $0xb8;
	[tilespmem:$0x16000] =	vst v63  }
0x81: {  	_ =	swait.ge [sflag:s11], $0x1900  }
0x82: {  	[sflag:s11] =	ssyncset.done $0x0  }
0x83: {  	[sflag:s11] =	ssyncadd.s32 $0xFFFFE700  }
0x84: {  	[spmem:s2] =	stream.indirect.scatter.add.f32 [tilespmem:s12], [sflag:$0x1], $0x80, s20, s13, $0xb8;
	[tilespmem:$0x16000] =	vst v63  }
0x85: {  	_ =	swait.ge [sflag:s11], $0x1900  }
0x86: {  	s21 =	sadd.s32 $0x1, s21;
	[sflag:s11] =	ssyncset.done $0x0  }
0x87: {  	p0 =	sne.s32 s21, s8;
	[sflag:s11] =	ssyncadd.s32 $0xFFFFE700  }
.Ltmp1:
0x88: {  	[bflag:$0x0] =	sbarrier.arrive $0xFFFF;
	(pc) =	sbr.rel @p0 .LBB2_1-.Ltmp1, $4  }
0x89: {  	[hbm:s7], [sflag:s6] =	dma.local [spmem:s10], $0x2800  }
0x8a: {  	_ =	swait.ge [sflag:s11], $0x2800  }
0x8b: {  	[sflag:s11] =	ssyncset.done $0x0  }
0x8c: {  	[sflag:s11] =	ssyncadd.s32 $0xFFFFD800  }
0x8d: {  	_ =	sfence.sel $0x180000  }
0x8e: {  	[bflag:$0x0] =	sbarrier.arrive $0xFFFF  }
0x8f: {  	p0 =	sne.s32 s1, $0x0;
	_ =	strace $0x9000004A  }
0x90: {  	s0 =	sadd.s32 @!p0 $0x100000, s0;
	[bflag:$0x2] =	sbarrier.arrive $0xFFFF  }
0x91: {  	[sflag:s0] =	ssyncadd.tile.s32 @!p0 $0x1;
	_ =	shalt  }
.Lfunc_end2:
_tile_overlayer_lowered:
.L_overlay_start_2:
0x92: {  	(tag) =	ssettag $0x2  }
0x93: {  	s0 =	rddreg [dreg:$0x0];
	s2 =	stileid.u32  }
0x94: {  	s1 =	rddreg [dreg:$0x1];
	p0 =	sne.s32 s2, $0x0  }
0x95: {  	s3 =	rddreg [dreg:$0x2];
	[bflag:$0x3] =	sbarrier.arrive $0xFFFF;
	s2 =	simm.s32 @!p0 $0x1C01  }
0x96: {  	[timem:s3], [sflag:s2] =	dma.local @!p0 [hbm:s0], s1  }
0x97: {  	s0 =	simm.s32 @!p0 $0x1  }
0x98: {  	_ =	swait.ge @!p0 [sflag:s0], s1  }
0x99: {  	s1 =	ssub.s32 @!p0 $0x0, s1;
	[sflag:s0] =	ssyncset.done @!p0 $0x0  }
0x9a: {  	[sflag:s0] =	ssyncadd.s32 @!p0 s1  }
0x9b: {  	[bflag:$0x3] =	sbarrier.arrive $0xFFFF  }
0x9c: {  	_ =	shalt  }

// kernel: kernel.13.cloned.1.call-start
scs
__scs_entry_jumppad:
0x0: {  	(pc) =	sbr.rel $0x88, $3  }
0x1: {  	(tag) =	ssettag $0x0;
	lr =	simm.s32 $0x1  }
0x2: {  	[smem:$0x3F92] =	sst lr;
	_ =	strace $0xD0000000  }
0x3: {  	_ = 	snop  }
0x4: {  	_ = 	snop  }
0x5: {  	_ = 	snop  }
0x6: {  	_ = 	snop  }
0x7: {  	_ = 	snop  }
__scs_overlays_trampoline_lowered:
0x8: {  	[smem:$0x3FA1] =	sst s0  }
0x9: {  	[smem:$0x3FA2] =	sst s1  }
0xa: {  	[smem:$0x3FA3] =	sst s2  }
0xb: {  	[smem:$0x3FA4] =	sst s3  }
0xc: {  	[smem:$0x3FA5] =	sst s4  }
0xd: {  	[smem:$0x3FA6] =	sst s5  }
0xe: {  	[smem:$0x3FA7] =	sst s6  }
0xf: {  	[smem:$0x3FA8] =	sst s7  }
0x10: {  	[smem:$0x3FA9] =	sst s8  }
0x11: {  	[smem:$0x3FAA] =	sst s9;
	s0 =	simm.s32 @!p0 $0x0  }
0x12: {  	s1 =	sld [smem:$0x3F90];
	s0 =	simm.s32 @p0 $0x1  }
0x13: {  	[smem:$0x3FAB] =	sst s0;
	s0 =	simm.s32 @!p1 $0x0  }
0x14: {  	s2 =	sld [smem:$0x3F8F];
	s0 =	simm.s32 @p1 $0x1  }
0x15: {  	[smem:$0x3FAC] =	sst s0;
	s0 =	simm.s32 @!p2 $0x0  }
0x16: {  	s3 =	sld [smem:$0x3FDB];
	s0 =	simm.s32 @p2 $0x1  }
0x17: {  	s4 =	simm.s32 $0x1BF5;
	[smem:$0x3FAE] =	sst s0  }
0x18: {  	s0 =	sld [smem:$0x3F91];
	_ =	swait.ge [sflag:s4], $0x0  }
0x19: {  	s7 =	sld [smem:$0x3F92]  }
0x1a: {  	s8 =	sadd.s32 $0xFFFFE003, lr  }
0x1b: {  	s9 =	sadd.s32 $0xFFFFFEF7, lr;
	s5 =	simm.s32 $0xFFFFFFFF;
	p2 =	slt.u32 s8, $0xFFFFF086  }
0x1c: {  	p1 =	slt.u32 s9, $0xF7A;
	s5 =	simm.s32 @!p2 $0x0  }
0x1d: {  	s5 =	simm.s32 @p1 $0x1;
	p0 =	seq.s32 s7, s2  }
0x1e: {  	s7 =	smul.u32 @!p0 $0xF7A, s2;
	p2 =	seq.s32 @!p0 s5, $0x0  }
0x1f: {  	s9 =	smul.u32 $0xF7A, s1;
	s8 =	simm.s32 @!p0 $0x1BF5;
	p2 =	por !p2, p0  }
0x20: {  	[sflag:s8] =	ssyncset.s32 @!p0 $0xFFFFF086;
	s6 =	sadd.s32 @!p0 s3, s7;
	s7 =	simm.s32 @!p0 $0x108  }
0x21: {  	s3 =	sadd.s32 s3, s9;
	s6 =	sadd.s32 @!p0 $0x88, s6;
	s7 =	simm.s32 @p2 $0x1082  }
0x22: {  	[simem:s7], [sflag:s8] =	dma.local @!p0 [hbm:s6], $0xF7A  }
0x23: {  	s9 =	sor.u32 $0xD0000000, s2;
	s6 =	simm.s32 $0x108;
	_ =	swait.ge @!p0 [sflag:s8], $0x0  }
0x24: {  	s3 =	sadd.s32 $0x88, s3;
	s6 =	simm.s32 @!p1 $0x1082;
	[sflag:s4] =	ssyncset.s32 $0xFFFFF086  }
0x25: {  	[simem:s6], [sflag:s4] =	dma.local [hbm:s3], $0xF7A  }
0x26: {  	[smem:$0x3F92] =	sst s1;
	(tag) =	ssettag s2;
	_ =	strace s9  }
0x27: {  	s1 =	sld [smem:$0x3FA2]  }
0x28: {  	s2 =	sld [smem:$0x3FA3]  }
0x29: {  	s4 =	sld [smem:$0x3FA5]  }
0x2a: {  	p0 =	seq.s32 s5, $0x0;
	s5 =	sld [smem:$0x3FA6]  }
0x2b: {  	s6 =	sld [smem:$0x3FA7]  }
0x2c: {  	s7 =	sld [smem:$0x3FA8]  }
0x2d: {  	s3 =	simm.s32 $0x108;
	s8 =	sld [smem:$0x3FA9]  }
0x2e: {  	s3 =	simm.s32 @!p0 $0x1082;
	s9 =	sld [smem:$0x3FAA]  }
0x2f: {  	lr =	sadd.s32 s0, s3;
	s0 =	sld [smem:$0x3FA1]  }
0x30: {  	s3 =	sld [smem:$0x3FA4]  }
0x31: {  	[smem:$0x3FAD] =	sst s10  }
0x32: {  	s10 =	sld [smem:$0x3FAB];
	_ =	sdelay $0x3  }
0x33: {  	p0 =	seq.s32 s10, $0x1;
	s10 =	sld [smem:$0x3FAD];
	_ =	sdelay $0x3  }
0x34: {  	[smem:$0x3FAD] =	sst s10  }
0x35: {  	s10 =	sld [smem:$0x3FAC];
	_ =	sdelay $0x3  }
0x36: {  	p1 =	seq.s32 s10, $0x1;
	s10 =	sld [smem:$0x3FAD];
	_ =	sdelay $0x3  }
0x37: {  	[smem:$0x3FAD] =	sst s10  }
0x38: {  	s10 =	sld [smem:$0x3FAE]  }
0x39: {  	_ = 	snop;
	(pc) =	sbr.ind lr, $3  }
0x3a: {  	_ = 	snop  }
0x3b: {  	_ = 	snop  }
0x3c: {  	p2 =	seq.s32 s10, $0x1;
	s10 =	sld [smem:$0x3FAD]  }
0x3d: {  	_ =	shalt  }
0x3e: {  	_ =	shalt  }
0x3f: {  	_ =	shalt  }
0x40: {  	_ =	shalt  }
0x41: {  	_ =	shalt  }
0x42: {  	_ =	shalt  }
0x43: {  	_ =	shalt  }
0x44: {  	_ =	shalt  }
0x45: {  	_ =	shalt  }
0x46: {  	_ =	shalt  }
0x47: {  	_ =	shalt  }
0x48: {  	_ =	shalt  }
0x49: {  	_ =	shalt  }
0x4a: {  	_ =	shalt  }
0x4b: {  	_ =	shalt  }
0x4c: {  	_ =	shalt  }
0x4d: {  	_ =	shalt  }
0x4e: {  	_ =	shalt  }
0x4f: {  	_ =	shalt  }
0x50: {  	_ =	shalt  }
0x51: {  	_ =	shalt  }
0x52: {  	_ =	shalt  }
0x53: {  	_ =	shalt  }
0x54: {  	_ =	shalt  }
0x55: {  	_ =	shalt  }
0x56: {  	_ =	shalt  }
0x57: {  	_ =	shalt  }
0x58: {  	_ =	shalt  }
0x59: {  	_ =	shalt  }
0x5a: {  	_ =	shalt  }
0x5b: {  	_ =	shalt  }
0x5c: {  	_ =	shalt  }
0x5d: {  	_ =	shalt  }
0x5e: {  	_ =	shalt  }
0x5f: {  	_ =	shalt  }
0x60: {  	_ =	shalt  }
0x61: {  	_ =	shalt  }
0x62: {  	_ =	shalt  }
0x63: {  	_ =	shalt  }
0x64: {  	_ =	shalt  }
0x65: {  	_ =	shalt  }
0x66: {  	_ =	shalt  }
0x67: {  	_ =	shalt  }
0x68: {  	_ =	shalt  }
0x69: {  	_ =	shalt  }
0x6a: {  	_ =	shalt  }
0x6b: {  	_ =	shalt  }
0x6c: {  	_ =	shalt  }
0x6d: {  	_ =	shalt  }
0x6e: {  	_ =	shalt  }
0x6f: {  	_ =	shalt  }
0x70: {  	_ =	shalt  }
0x71: {  	_ =	shalt  }
0x72: {  	_ =	shalt  }
0x73: {  	_ =	shalt  }
0x74: {  	_ =	shalt  }
0x75: {  	_ =	shalt  }
0x76: {  	_ =	shalt  }
0x77: {  	_ =	shalt  }
0x78: {  	_ =	shalt  }
0x79: {  	_ =	shalt  }
0x7a: {  	_ =	shalt  }
0x7b: {  	_ =	shalt  }
0x7c: {  	_ =	shalt  }
0x7d: {  	_ =	shalt  }
0x7e: {  	_ =	shalt  }
0x7f: {  	_ =	shalt  }
0x80: {  	_ =	shalt  }
0x81: {  	_ =	shalt  }
0x82: {  	_ =	shalt  }
0x83: {  	_ =	shalt  }
0x84: {  	_ =	shalt  }
0x85: {  	_ =	shalt  }
0x86: {  	_ =	shalt  }
0x87: {  	_ =	shalt  }
.Lfunc_end0:
.L_simem_size_0:
called_computation.2_lowered:
.L_overlay_start_0:
0x88: {  	s2 =	sld [smem:$0x3FD9]  }
0x89: {  	s3 =	sld [smem:$0x3FFE];
	_ =	sdelay $0x1  }
0x8a: {  	s1 =	srdreg.scid  }
0x8b: {  	s0 =	sand.u32 $0x1, s1  }
0x8c: {  	s17 =	sshll.u32 s0, $0xA;
	s2 =	sadd.s32 s3, s2  }
0x8d: {  	s2 =	sadd.s32 s2, s17  }
0x8e: {  	[smem:$0x3FB9] =	sst s2  }
0x8f: {  	_ = 	snop  }
0x90: {  	s18 =	sld [smem:$0x3FD0];
	(tm) =	ssettm $0x1  }
0x91: {  	s19 =	sld [smem:$0x3FFB];
	_ =	sdelay $0x3  }
0x92: {  	_ =	strace s19  }
0x93: {  	s2 =	sld [smem:$0x3FFC];
	_ =	sdelay $0x3  }
0x94: {  	_ =	strace s2  }
0x95: {  	s2 =	sld [smem:$0x3FFD];
	_ =	sdelay $0x3  }
0x96: {  	_ =	strace s2  }
0x97: {  	_ =	strace $0x8FFFFFFF  }
0x98: {  	s20 =	sld [smem:$0x3FDB];
	_ =	sdelay $0x1  }
0x99: {  	s4 =	simm.s32 $_scs_section_size  }
0x9a: {  	s5 =	simm.s32 $_size__tile_overlayer_lowered;
	s6 =	simm.s32 $_tile_overlayer_lowered  }
0x9b: {  	s7 =	simm.s32 $0x1BFF;
	s21 =	sshll.u32 s6, $0x1;
	s4 =	sadd.s32 s4, s20  }
0x9c: {  	s22 =	simm.s32 $0x0;
	s5 =	sshll.u32 s5, $0x1;
	s6 =	sadd.s32 s21, s4  }
0x9d: {  	[timem:s22], [sflag:s7] =	dma.local [hbm:s6], s5  }
0x9e: {  	_ =	swait.ge [sflag:s7], s5  }
0x9f: {  	s5 =	ssub.s32 $0x0, s5;
	[sflag:s7] =	ssyncset.done $0x0  }
0xa0: {  	[sflag:s7] =	ssyncadd.s32 s5;
	_ =	sdelay $0x1  }
0xa1: {  	s23 =	simm.s32 $0x1B8B  }
0xa2: {  	_ =	swait.ge [sflag:s23], $0x1  }
0xa3: {  	[sflag:s23] =	ssyncset.done $0x0  }
0xa4: {  	[sflag:s23] =	ssyncadd.s32 $0xFFFFFFFF  }
0xa5: {  	s5 =	sld [smem:$0x0]  }
0xa6: {  	s6 =	sand.u32 $0xFFFFFFFE, s1  }
0xa7: {  	p0 =	sne.s32 s1, s6  }
0xa8: {  	s6 =	sshll.u32 @p0 s6, $0xE  }
0xa9: {  	s6 =	sadd.s32 @p0 $0x11B8D, s6;
	s7 =	sshll.u32 @p0 s5, $0x11  }
0xaa: {  	s6 =	sor.u32 @p0 s7, s6  }
0xab: {  	[sflag:s6] =	ssyncadd.remote.s32 @p0 $0x1;
	_ =	sdelay $0x1  }
0xac: {  	s6 =	simm.s32 @p0 $0x1B8D  }
0xad: {  	_ =	swait.eq @p0 [sflag:s6], $0x1  }
0xae: {  	[sflag:s6] =	ssyncadd.s32 @p0 $0xFFFFFFFF  }
0xaf: {  	s7 =	sshll.u32 @!p0 s1, $0xE  }
0xb0: {  	s7 =	sor.u32 @!p0 $0x4000, s7;
	s6 =	simm.s32 @!p0 $0x1B8D  }
0xb1: {  	s5 =	sshll.u32 @!p0 s5, $0x11;
	s7 =	sadd.s32 @!p0 $0x11B8D, s7;
	_ =	swait.eq @!p0 [sflag:s6], $0x1  }
0xb2: {  	s5 =	sor.u32 @!p0 s5, s7;
	[sflag:s6] =	ssyncadd.s32 @!p0 $0xFFFFFFFF  }
0xb3: {  	s25 =	simm.s32 $0x1B8E;
	s24 =	sld [smem:$0x3FFE];
	[sflag:s5] =	ssyncadd.remote.s32 @!p0 $0x1  }
0xb4: {  	s26 =	simm.s32 $execute0_lowered;
	[smem:$0x3FD2] =	sst s25  }
0xb5: {  	s6 =	sshll.u32 s26, $0x1;
	_ =	strace $0x8000004C;
	[dreg:$0x1] =	wrdreg $0xFFFFFFFF  }
0xb6: {  	s28 =	simm.s32 $_size_execute0_lowered;
	s4 =	sadd.s32 s4, s6;
	[dreg:$0x0] =	wrdreg $0x0  }
0xb7: {  	s6 =	sshll.u32 s28, $0x1;
	[dreg:$0x2] =	wrdreg s4  }
0xb8: {  	[dreg:$0x3] =	wrdreg s6  }
0xb9: {  	[dreg:$0x4] =	wrdreg $0xC0  }
0xba: {  	_ =	task [dreg:s22], $0x5FFFF  }
0xbb: {  	[dreg:$0x1] =	wrdreg $0xFFFFFFFF  }
0xbc: {  	[dreg:$0x0] =	wrdreg $0x60  }
0xbd: {  	[dreg:$0x2] =	wrdreg s24  }
0xbe: {  	[dreg:$0x3] =	wrdreg s18  }
0xbf: {  	[dreg:$0x4] =	wrdreg $0x72000  }
0xc0: {  	[dreg:$0x5] =	wrdreg $0xA  }
0xc1: {  	_ =	task.clear_ibuf [dreg:s22], $0x6FFFF;
	_ =	strace $0x9000004C  }
0xc2: {  	s29 =	simm.s32 $0xA;
	_ =	strace $0x8000004E  }
0xc3: {  	_ =	swait.ge [sflag:s29], $0x1  }
0xc4: {  	[sflag:s29] =	ssyncadd.s32 $0xFFFFFFFF  }
0xc5: {  	_ =	strace $0x9000004E  }
0xc6: {  	_ =	sfence  }
0xc7: {  	s30 =	sld [smem:$0x0];
	_ =	sdelay $0x2  }
0xc8: {  	s31 =	sshll.u32 s1, $0xD;
	s1 =	sshrl.u32 s1, $0x2  }
0xc9: {  	s4 =	sand.u32 $0x4000, s31;
	s1 =	sadd.s32 s1, s30  }
0xca: {  	s0 =	sor.u32 s4, s0;
	s1 =	sshll.u32 s1, $0x11  }
0xcb: {  	s0 =	sor.u32 s1, s0  }
0xcc: {  	s0 =	sadd.s32 $0x8F2B, s0  }
0xcd: {  	[sflag:s0] =	ssyncadd.remote.s32 $0x1  }
0xce: {  	_ =	sfence.sel $0xFFFF  }
0xcf: {  	[dreg:$0x0] =	wrdreg $0xFFFFFFFF;
	(pc) =	sbr.abs _section_cstart, $3  }
0xd0: {  	[dreg:$0x1] =	wrdreg $0xFFFFFFFF  }
0xd1: {  	_ =	task.clear_ibuf [dreg:s22], $0x2FFFF;
	_ =	strace $0x9FFFFFFF  }
0xd2: {  	(tm) =	ssettm $0x7FFFFFFF  }
0xd3: {  	_ =	shalt  }
tec
execute0_lowered:
.L_overlay_start_1:
0x0: {  	(tag) =	ssettag $0x1  }
0x1: {  	s5 =	rddreg [dreg:$0x0]  }
0x2: {  	s2 =	rddreg [dreg:$0x1]  }
0x3: {  	s3 =	rddreg [dreg:$0x2]  }
0x4: {  	s0 =	rddreg [dreg:$0x3]  }
0x5: {  	s1 =	stileid.u32;
	s7 =	srdreg.scid  }
0x6: {  	s4 =	simm.s32 $0x0;
	s14 =	simm.s32 $0x1E00;
	s6 =	smul.u32 $0x57800, s1  }
0x7: {  	s15 =	simm.s32 $0x3A00;
	s16 =	simm.s32 $0x5600;
	s8 =	smul.u32 $0x2800, s1  }
0x8: {  	s17 =	simm.s32 $0x32;
	s18 =	simm.s32 $0x80;
	s25 =	smul.u32 $0x50000, s1  }
0x9: {  	s19 =	simm.s32 $0x100;
	s7 =	sand.u32 $0x1, s7;
	s30 =	smul.u32 $0x1900, s1  }
0xa: {  	s20 =	simm.s32 $0x180;
	s21 =	simm.s32 $0x0;
	s9 =	smul.u32 $0x28000, s7  }
0xb: {  	[smem:$0x7FF] =	sst s4;
	s29 =	sshll.u32 s1, $0x6;
	s13 =	smul.u32 $0x2BC00, s7  }
0xc: {  	_ =	strace $0x8000004D;
	s26 =	ssub.s32 $0x2, s7;
	s31 =	smul.u32 $0xC80, s7  }
0xd: {  	s10 =	sadd.s32 s6, s5;
	s11 =	sadd.s32 s8, s5;
	s28 =	sshrl.u32 s26, $0x1  }
0xe: {  	s6 =	sshrl.u32 s25, $0x2;
	s8 =	sadd.s32 s8, s9;
	s9 =	ssub.s32 s26, s28  }
0xf: {  	s12 =	sadd.s32 s6, s3;
	s6 =	sor.u32 $0x1C01, s29;
	s10 =	sadd.s32 s13, s10  }
0x10: {  	s13 =	simm.s32 $0x200;
	s8 =	sadd.s32 s8, s5;
	s5 =	sadd.s32 $0x4EF400, s11  }
0x11: {  	s11 =	sshrl.u32 s12, $0x3;
	s12 =	simm.s32 $0x1;
	s7 =	sadd.s32 $0x3600, s8  }
0x12: {  	s8 =	smax.u32 s9, $0x1;
	s9 =	sadd.s32 $0xF2B800, s10;
	s10 =	sadd.s32 s31, s30  }
.LBB2_1:
0x13: {  	[spmem:s11], [sflag:s6] =	dma.local [hbm:s5], $0x2800  }
0x14: {  	_ =	swait.ge [sflag:s12], $0x2800  }
0x15: {  	s22 =	sadd.s32 $0x0, s10;
	s23 =	sand.u32 $0x40, s4;
	[sflag:s12] =	ssyncset.done $0x0  }
0x16: {  	s22 =	sand.u32 $0xFFFFF80, s22;
	s23 =	sadd.s32 s2, s23;
	[sflag:s12] =	ssyncadd.s32 $0xFFFFD800  }
0x17: {  	s22 =	sadd.s32 s22, s23;
	[bflag:$0x0] =	sbarrier.arrive $0xFFFF  }
0x18: {  	[tilespmem:s4], [sflag:$0x1] =	stream.linear.gather [hbm4b:s22+s4], $0x200, $0x38;
	[tilespmem:$0x1B200] =	vst v63  }
0x19: {  	_ =	swait.ge [sflag:s12], $0x200  }
0x1a: {  	[sflag:s12] =	ssyncset.done $0x0  }
0x1b: {  	[sflag:s12] =	ssyncadd.s32 $0xFFFFFE00  }
0x1c: {  	[tilespmem:s13], [sflag:$0x1] =	stream.linear.gather [hbm4b:s9+s4], $0x1900, $0x38;
	[tilespmem:$0x1B200] =	vst v63  }
0x1d: {  	s28 =	sadd.s32 $0x380, s9  }
0x1e: {  	[tilespmem:s14], [sflag:$0x1] =	stream.linear.gather [hbm4b:s28+s4], $0x1900, $0x38;
	[tilespmem:$0x1B200] =	vst v63  }
0x1f: {  	s29 =	sadd.s32 $0x700, s9  }
0x20: {  	[tilespmem:s15], [sflag:$0x1] =	stream.linear.gather [hbm4b:s29+s4], $0x1900, $0x38;
	[tilespmem:$0x1B200] =	vst v63  }
0x21: {  	s30 =	sadd.s32 $0xA80, s9  }
0x22: {  	[tilespmem:s16], [sflag:$0x1] =	stream.linear.gather [hbm4b:s30+s4], $0x1900, $0x38;
	[tilespmem:$0x1B200] =	vst v63  }
0x23: {  	_ =	swait.ge [sflag:s12], $0x6400  }
0x24: {  	[sflag:s12] =	ssyncset.done $0x0  }
0x25: {  	[sflag:s12] =	ssyncadd.s32 $0xFFFF9C00  }
0x26: {  	[spmem:s3] =	stream.indirect.scatter.add.f32 [tilespmem:s13], [sflag:$0x1], $0x80, s4, s17, $0xb8;
	[tilespmem:$0x1B200] =	vst v63  }
0x27: {  	_ =	swait.ge [sflag:s12], $0x1900  }
0x28: {  	[sflag:s12] =	ssyncset.done $0x0  }
0x29: {  	[sflag:s12] =	ssyncadd.s32 $0xFFFFE700  }
0x2a: {  	[spmem:s3] =	stream.indirect.scatter.add.f32 [tilespmem:s14], [sflag:$0x1], $0x80, s18, s17, $0xb8;
	[tilespmem:$0x1B200] =	vst v63  }
0x2b: {  	_ =	swait.ge [sflag:s12], $0x1900  }
0x2c: {  	[sflag:s12] =	ssyncset.done $0x0  }
0x2d: {  	[sflag:s12] =	ssyncadd.s32 $0xFFFFE700  }
0x2e: {  	[spmem:s3] =	stream.indirect.scatter.add.f32 [tilespmem:s15], [sflag:$0x1], $0x80, s19, s17, $0xb8;
	[tilespmem:$0x1B200] =	vst v63  }
0x2f: {  	_ =	swait.ge [sflag:s12], $0x1900  }
0x30: {  	s31 =	simm.s32 $0x40;
	[sflag:s12] =	ssyncset.done $0x0  }
0x31: {  	s24 =	simm.s32 $0x80;
	s25 =	sadd.s32 $0x40, s10;
	[sflag:s12] =	ssyncadd.s32 $0xFFFFE700  }
0x32: {  	[spmem:s3] =	stream.indirect.scatter.add.f32 [tilespmem:s16], [sflag:$0x1], $0x80, s20, s17, $0xb8;
	[tilespmem:$0x1B200] =	vst v63  }
0x33: {  	s25 =	sand.u32 $0xFFFFF80, s25;
	s23 =	sand.u32 $0x40, s31;
	_ =	swait.ge [sflag:s12], $0x1900  }
0x34: {  	s26 =	sadd.s32 s2, s23;
	s22 =	sadd.s32 $0xE00, s9;
	[sflag:s12] =	ssyncset.done $0x0  }
.LBB2_2:
0x35: {  	s25 =	sadd.s32 s25, s26  }
0x36: {  	[sflag:s12] =	ssyncadd.s32 $0xFFFFE700;
	s26 =	smov.u32 s24;
	s23 =	sadd.s32 $0x40, s24  }
0x37: {  	[tilespmem:s4], [sflag:$0x1] =	stream.linear.gather [hbm4b:s25+s4], $0x200, $0x38;
	[tilespmem:$0x1B200] =	vst v63  }
0x38: {  	p0 =	sne.s32 s24, $0xC40;
	_ =	swait.ge [sflag:s12], $0x200  }
0x39: {  	[sflag:s12] =	ssyncset.done $0x0  }
0x3a: {  	[sflag:s12] =	ssyncadd.s32 $0xFFFFFE00  }
0x3b: {  	[tilespmem:s13], [sflag:$0x1] =	stream.linear.gather [hbm4b:s22+s4], $0x1900, $0x38;
	[tilespmem:$0x1B200] =	vst v63  }
0x3c: {  	s24 =	sadd.s32 $0x380, s22  }
0x3d: {  	[tilespmem:s14], [sflag:$0x1] =	stream.linear.gather [hbm4b:s24+s4], $0x1900, $0x38;
	[tilespmem:$0x1B200] =	vst v63  }
0x3e: {  	s24 =	sadd.s32 $0x700, s22  }
0x3f: {  	[tilespmem:s15], [sflag:$0x1] =	stream.linear.gather [hbm4b:s24+s4], $0x1900, $0x38;
	[tilespmem:$0x1B200] =	vst v63  }
0x40: {  	s24 =	sadd.s32 $0xA80, s22  }
0x41: {  	[tilespmem:s16], [sflag:$0x1] =	stream.linear.gather [hbm4b:s24+s4], $0x1900, $0x38;
	[tilespmem:$0x1B200] =	vst v63  }
0x42: {  	_ =	swait.ge [sflag:s12], $0x6400  }
0x43: {  	[sflag:s12] =	ssyncset.done $0x0  }
0x44: {  	[sflag:s12] =	ssyncadd.s32 $0xFFFF9C00  }
0x45: {  	[spmem:s3] =	stream.indirect.scatter.add.f32 [tilespmem:s13], [sflag:$0x1], $0x80, s4, s17, $0xb8;
	[tilespmem:$0x1B200] =	vst v63  }
0x46: {  	_ =	swait.ge [sflag:s12], $0x1900  }
0x47: {  	[sflag:s12] =	ssyncset.done $0x0  }
0x48: {  	[sflag:s12] =	ssyncadd.s32 $0xFFFFE700  }
0x49: {  	[spmem:s3] =	stream.indirect.scatter.add.f32 [tilespmem:s14], [sflag:$0x1], $0x80, s18, s17, $0xb8;
	[tilespmem:$0x1B200] =	vst v63  }
0x4a: {  	_ =	swait.ge [sflag:s12], $0x1900  }
0x4b: {  	[sflag:s12] =	ssyncset.done $0x0  }
0x4c: {  	[sflag:s12] =	ssyncadd.s32 $0xFFFFE700  }
0x4d: {  	[spmem:s3] =	stream.indirect.scatter.add.f32 [tilespmem:s15], [sflag:$0x1], $0x80, s19, s17, $0xb8;
	[tilespmem:$0x1B200] =	vst v63  }
0x4e: {  	_ =	swait.ge [sflag:s12], $0x1900  }
.Ltmp0:
0x4f: {  	[sflag:s12] =	ssyncset.done $0x0;
	(pc) =	sbr.rel @p0 .LBB2_2-.Ltmp0, $4  }
0x50: {  	s22 =	sadd.s32 $0xE00, s22;
	s24 =	sadd.s32 s26, s10;
	[sflag:s12] =	ssyncadd.s32 $0xFFFFE700  }
0x51: {  	[spmem:s3] =	stream.indirect.scatter.add.f32 [tilespmem:s16], [sflag:$0x1], $0x80, s20, s17, $0xb8;
	[tilespmem:$0x1B200] =	vst v63  }
0x52: {  	s26 =	sand.u32 $0x40, s26;
	s25 =	sand.u32 $0xFFFFF80, s24;
	_ =	swait.ge [sflag:s12], $0x1900  }
0x53: {  	s26 =	sadd.s32 s2, s26;
	s24 =	smov.u32 s23;
	[sflag:s12] =	ssyncset.done $0x0  }
0x54: {  	s23 =	sadd.s32 s25, s26;
	[sflag:s12] =	ssyncadd.s32 $0xFFFFE700  }
0x55: {  	[tilespmem:s4], [sflag:$0x1] =	stream.linear.gather [hbm4b:s23+s4], $0x200, $0x38;
	[tilespmem:$0x1B200] =	vst v63  }
0x56: {  	_ =	swait.ge [sflag:s12], $0x200  }
0x57: {  	[sflag:s12] =	ssyncset.done $0x0  }
0x58: {  	[sflag:s12] =	ssyncadd.s32 $0xFFFFFE00  }
0x59: {  	[tilespmem:s13], [sflag:$0x1] =	stream.linear.gather [hbm4b:s22+s4], $0x1900, $0x38;
	[tilespmem:$0x1B200] =	vst v63  }
0x5a: {  	s29 =	sadd.s32 $0x380, s22  }
0x5b: {  	[tilespmem:s14], [sflag:$0x1] =	stream.linear.gather [hbm4b:s29+s4], $0x1900, $0x38;
	[tilespmem:$0x1B200] =	vst v63  }
0x5c: {  	s30 =	sadd.s32 $0x700, s22  }
0x5d: {  	[tilespmem:s15], [sflag:$0x1] =	stream.linear.gather [hbm4b:s30+s4], $0x1900, $0x38;
	[tilespmem:$0x1B200] =	vst v63  }
0x5e: {  	s31 =	sadd.s32 $0xA80, s22  }
0x5f: {  	[tilespmem:s16], [sflag:$0x1] =	stream.linear.gather [hbm4b:s31+s4], $0x1900, $0x38;
	[tilespmem:$0x1B200] =	vst v63  }
0x60: {  	_ =	swait.ge [sflag:s12], $0x6400  }
0x61: {  	[sflag:s12] =	ssyncset.done $0x0  }
0x62: {  	[sflag:s12] =	ssyncadd.s32 $0xFFFF9C00  }
0x63: {  	[spmem:s3] =	stream.indirect.scatter.add.f32 [tilespmem:s13], [sflag:$0x1], $0x80, s4, s17, $0xb8;
	[tilespmem:$0x1B200] =	vst v63  }
0x64: {  	_ =	swait.ge [sflag:s12], $0x1900  }
0x65: {  	[sflag:s12] =	ssyncset.done $0x0  }
0x66: {  	[sflag:s12] =	ssyncadd.s32 $0xFFFFE700  }
0x67: {  	[spmem:s3] =	stream.indirect.scatter.add.f32 [tilespmem:s14], [sflag:$0x1], $0x80, s18, s17, $0xb8;
	[tilespmem:$0x1B200] =	vst v63  }
0x68: {  	_ =	swait.ge [sflag:s12], $0x1900  }
0x69: {  	[sflag:s12] =	ssyncset.done $0x0  }
0x6a: {  	[sflag:s12] =	ssyncadd.s32 $0xFFFFE700  }
0x6b: {  	[spmem:s3] =	stream.indirect.scatter.add.f32 [tilespmem:s15], [sflag:$0x1], $0x80, s19, s17, $0xb8;
	[tilespmem:$0x1B200] =	vst v63  }
0x6c: {  	_ =	swait.ge [sflag:s12], $0x1900  }
0x6d: {  	[sflag:s12] =	ssyncset.done $0x0  }
0x6e: {  	[sflag:s12] =	ssyncadd.s32 $0xFFFFE700  }
0x6f: {  	[spmem:s3] =	stream.indirect.scatter.add.f32 [tilespmem:s16], [sflag:$0x1], $0x80, s20, s17, $0xb8;
	[tilespmem:$0x1B200] =	vst v63  }
0x70: {  	_ =	swait.ge [sflag:s12], $0x1900  }
0x71: {  	s21 =	sadd.s32 $0x1, s21;
	[sflag:s12] =	ssyncset.done $0x0  }
0x72: {  	p0 =	sne.s32 s21, s8;
	[sflag:s12] =	ssyncadd.s32 $0xFFFFE700  }
.Ltmp1:
0x73: {  	[bflag:$0x0] =	sbarrier.arrive $0xFFFF;
	(pc) =	sbr.rel @p0 .LBB2_1-.Ltmp1, $4  }
0x74: {  	[hbm:s7], [sflag:s6] =	dma.local [spmem:s11], $0x2800  }
0x75: {  	_ =	swait.ge [sflag:s12], $0x2800  }
0x76: {  	[sflag:s12] =	ssyncset.done $0x0  }
0x77: {  	[sflag:s12] =	ssyncadd.s32 $0xFFFFD800  }
0x78: {  	_ =	sfence.sel $0x180000  }
0x79: {  	[bflag:$0x0] =	sbarrier.arrive $0xFFFF  }
0x7a: {  	p0 =	sne.s32 s1, $0x0;
	_ =	strace $0x9000004D  }
0x7b: {  	s0 =	sadd.s32 @!p0 $0x100000, s0;
	[bflag:$0x2] =	sbarrier.arrive $0xFFFF  }
0x7c: {  	[sflag:s0] =	ssyncadd.tile.s32 @!p0 $0x1;
	_ =	shalt  }
.Lfunc_end2:
_tile_overlayer_lowered:
.L_overlay_start_2:
0x7d: {  	(tag) =	ssettag $0x2  }
0x7e: {  	s0 =	rddreg [dreg:$0x0];
	s2 =	stileid.u32  }
0x7f: {  	s1 =	rddreg [dreg:$0x1];
	p0 =	sne.s32 s2, $0x0  }
0x80: {  	s3 =	rddreg [dreg:$0x2];
	[bflag:$0x3] =	sbarrier.arrive $0xFFFF;
	s2 =	simm.s32 @!p0 $0x1C01  }
0x81: {  	[timem:s3], [sflag:s2] =	dma.local @!p0 [hbm:s0], s1  }
0x82: {  	s0 =	simm.s32 @!p0 $0x1  }
0x83: {  	_ =	swait.ge @!p0 [sflag:s0], s1  }
0x84: {  	s1 =	ssub.s32 @!p0 $0x0, s1;
	[sflag:s0] =	ssyncset.done @!p0 $0x0  }
0x85: {  	[sflag:s0] =	ssyncadd.s32 @!p0 s1  }
0x86: {  	[bflag:$0x3] =	sbarrier.arrive $0xFFFF  }
0x87: {  	_ =	shalt  }

// kernel: kernel.7.cloned.1.call-start
scs
__scs_entry_jumppad:
0x0: {  	(pc) =	sbr.rel $0x88, $3  }
0x1: {  	(tag) =	ssettag $0x0;
	lr =	simm.s32 $0x1  }
0x2: {  	[smem:$0x3F92] =	sst lr;
	_ =	strace $0xD0000000  }
0x3: {  	_ = 	snop  }
0x4: {  	_ = 	snop  }
0x5: {  	_ = 	snop  }
0x6: {  	_ = 	snop  }
0x7: {  	_ = 	snop  }
__scs_overlays_trampoline_lowered:
0x8: {  	[smem:$0x3FA1] =	sst s0  }
0x9: {  	[smem:$0x3FA2] =	sst s1  }
0xa: {  	[smem:$0x3FA3] =	sst s2  }
0xb: {  	[smem:$0x3FA4] =	sst s3  }
0xc: {  	[smem:$0x3FA5] =	sst s4  }
0xd: {  	[smem:$0x3FA6] =	sst s5  }
0xe: {  	[smem:$0x3FA7] =	sst s6  }
0xf: {  	[smem:$0x3FA8] =	sst s7  }
0x10: {  	[smem:$0x3FA9] =	sst s8  }
0x11: {  	[smem:$0x3FAA] =	sst s9;
	s0 =	simm.s32 @!p0 $0x0  }
0x12: {  	s1 =	sld [smem:$0x3F90];
	s0 =	simm.s32 @p0 $0x1  }
0x13: {  	[smem:$0x3FAB] =	sst s0;
	s0 =	simm.s32 @!p1 $0x0  }
0x14: {  	s2 =	sld [smem:$0x3F8F];
	s0 =	simm.s32 @p1 $0x1  }
0x15: {  	[smem:$0x3FAC] =	sst s0;
	s0 =	simm.s32 @!p2 $0x0  }
0x16: {  	s3 =	sld [smem:$0x3FDB];
	s0 =	simm.s32 @p2 $0x1  }
0x17: {  	s4 =	simm.s32 $0x1BF5;
	[smem:$0x3FAE] =	sst s0  }
0x18: {  	s0 =	sld [smem:$0x3F91];
	_ =	swait.ge [sflag:s4], $0x0  }
0x19: {  	s7 =	sld [smem:$0x3F92]  }
0x1a: {  	s8 =	sadd.s32 $0xFFFFE003, lr  }
0x1b: {  	s9 =	sadd.s32 $0xFFFFFEF7, lr;
	s5 =	simm.s32 $0xFFFFFFFF;
	p2 =	slt.u32 s8, $0xFFFFF086  }
0x1c: {  	p1 =	slt.u32 s9, $0xF7A;
	s5 =	simm.s32 @!p2 $0x0  }
0x1d: {  	s5 =	simm.s32 @p1 $0x1;
	p0 =	seq.s32 s7, s2  }
0x1e: {  	s7 =	smul.u32 @!p0 $0xF7A, s2;
	p2 =	seq.s32 @!p0 s5, $0x0  }
0x1f: {  	s9 =	smul.u32 $0xF7A, s1;
	s8 =	simm.s32 @!p0 $0x1BF5;
	p2 =	por !p2, p0  }
0x20: {  	[sflag:s8] =	ssyncset.s32 @!p0 $0xFFFFF086;
	s6 =	sadd.s32 @!p0 s3, s7;
	s7 =	simm.s32 @!p0 $0x108  }
0x21: {  	s3 =	sadd.s32 s3, s9;
	s6 =	sadd.s32 @!p0 $0x88, s6;
	s7 =	simm.s32 @p2 $0x1082  }
0x22: {  	[simem:s7], [sflag:s8] =	dma.local @!p0 [hbm:s6], $0xF7A  }
0x23: {  	s9 =	sor.u32 $0xD0000000, s2;
	s6 =	simm.s32 $0x108;
	_ =	swait.ge @!p0 [sflag:s8], $0x0  }
0x24: {  	s3 =	sadd.s32 $0x88, s3;
	s6 =	simm.s32 @!p1 $0x1082;
	[sflag:s4] =	ssyncset.s32 $0xFFFFF086  }
0x25: {  	[simem:s6], [sflag:s4] =	dma.local [hbm:s3], $0xF7A  }
0x26: {  	[smem:$0x3F92] =	sst s1;
	(tag) =	ssettag s2;
	_ =	strace s9  }
0x27: {  	s1 =	sld [smem:$0x3FA2]  }
0x28: {  	s2 =	sld [smem:$0x3FA3]  }
0x29: {  	s4 =	sld [smem:$0x3FA5]  }
0x2a: {  	p0 =	seq.s32 s5, $0x0;
	s5 =	sld [smem:$0x3FA6]  }
0x2b: {  	s6 =	sld [smem:$0x3FA7]  }
0x2c: {  	s7 =	sld [smem:$0x3FA8]  }
0x2d: {  	s3 =	simm.s32 $0x108;
	s8 =	sld [smem:$0x3FA9]  }
0x2e: {  	s3 =	simm.s32 @!p0 $0x1082;
	s9 =	sld [smem:$0x3FAA]  }
0x2f: {  	lr =	sadd.s32 s0, s3;
	s0 =	sld [smem:$0x3FA1]  }
0x30: {  	s3 =	sld [smem:$0x3FA4]  }
0x31: {  	[smem:$0x3FAD] =	sst s10  }
0x32: {  	s10 =	sld [smem:$0x3FAB];
	_ =	sdelay $0x3  }
0x33: {  	p0 =	seq.s32 s10, $0x1;
	s10 =	sld [smem:$0x3FAD];
	_ =	sdelay $0x3  }
0x34: {  	[smem:$0x3FAD] =	sst s10  }
0x35: {  	s10 =	sld [smem:$0x3FAC];
	_ =	sdelay $0x3  }
0x36: {  	p1 =	seq.s32 s10, $0x1;
	s10 =	sld [smem:$0x3FAD];
	_ =	sdelay $0x3  }
0x37: {  	[smem:$0x3FAD] =	sst s10  }
0x38: {  	s10 =	sld [smem:$0x3FAE]  }
0x39: {  	_ = 	snop;
	(pc) =	sbr.ind lr, $3  }
0x3a: {  	_ = 	snop  }
0x3b: {  	_ = 	snop  }
0x3c: {  	p2 =	seq.s32 s10, $0x1;
	s10 =	sld [smem:$0x3FAD]  }
0x3d: {  	_ =	shalt  }
0x3e: {  	_ =	shalt  }
0x3f: {  	_ =	shalt  }
0x40: {  	_ =	shalt  }
0x41: {  	_ =	shalt  }
0x42: {  	_ =	shalt  }
0x43: {  	_ =	shalt  }
0x44: {  	_ =	shalt  }
0x45: {  	_ =	shalt  }
0x46: {  	_ =	shalt  }
0x47: {  	_ =	shalt  }
0x48: {  	_ =	shalt  }
0x49: {  	_ =	shalt  }
0x4a: {  	_ =	shalt  }
0x4b: {  	_ =	shalt  }
0x4c: {  	_ =	shalt  }
0x4d: {  	_ =	shalt  }
0x4e: {  	_ =	shalt  }
0x4f: {  	_ =	shalt  }
0x50: {  	_ =	shalt  }
0x51: {  	_ =	shalt  }
0x52: {  	_ =	shalt  }
0x53: {  	_ =	shalt  }
0x54: {  	_ =	shalt  }
0x55: {  	_ =	shalt  }
0x56: {  	_ =	shalt  }
0x57: {  	_ =	shalt  }
0x58: {  	_ =	shalt  }
0x59: {  	_ =	shalt  }
0x5a: {  	_ =	shalt  }
0x5b: {  	_ =	shalt  }
0x5c: {  	_ =	shalt  }
0x5d: {  	_ =	shalt  }
0x5e: {  	_ =	shalt  }
0x5f: {  	_ =	shalt  }
0x60: {  	_ =	shalt  }
0x61: {  	_ =	shalt  }
0x62: {  	_ =	shalt  }
0x63: {  	_ =	shalt  }
0x64: {  	_ =	shalt  }
0x65: {  	_ =	shalt  }
0x66: {  	_ =	shalt  }
0x67: {  	_ =	shalt  }
0x68: {  	_ =	shalt  }
0x69: {  	_ =	shalt  }
0x6a: {  	_ =	shalt  }
0x6b: {  	_ =	shalt  }
0x6c: {  	_ =	shalt  }
0x6d: {  	_ =	shalt  }
0x6e: {  	_ =	shalt  }
0x6f: {  	_ =	shalt  }
0x70: {  	_ =	shalt  }
0x71: {  	_ =	shalt  }
0x72: {  	_ =	shalt  }
0x73: {  	_ =	shalt  }
0x74: {  	_ =	shalt  }
0x75: {  	_ =	shalt  }
0x76: {  	_ =	shalt  }
0x77: {  	_ =	shalt  }
0x78: {  	_ =	shalt  }
0x79: {  	_ =	shalt  }
0x7a: {  	_ =	shalt  }
0x7b: {  	_ =	shalt  }
0x7c: {  	_ =	shalt  }
0x7d: {  	_ =	shalt  }
0x7e: {  	_ =	shalt  }
0x7f: {  	_ =	shalt  }
0x80: {  	_ =	shalt  }
0x81: {  	_ =	shalt  }
0x82: {  	_ =	shalt  }
0x83: {  	_ =	shalt  }
0x84: {  	_ =	shalt  }
0x85: {  	_ =	shalt  }
0x86: {  	_ =	shalt  }
0x87: {  	_ =	shalt  }
.Lfunc_end0:
.L_simem_size_0:
called_computation_lowered:
.L_overlay_start_0:
0x88: {  	s2 =	sld [smem:$0x3FD9]  }
0x89: {  	s3 =	sld [smem:$0x3FFE];
	_ =	sdelay $0x1  }
0x8a: {  	s1 =	srdreg.scid  }
0x8b: {  	s0 =	sand.u32 $0x1, s1  }
0x8c: {  	s17 =	sshll.u32 s0, $0xA;
	s2 =	sadd.s32 s3, s2  }
0x8d: {  	s2 =	sadd.s32 s2, s17  }
0x8e: {  	[smem:$0x3FB9] =	sst s2  }
0x8f: {  	_ = 	snop  }
0x90: {  	s2 =	sld [smem:$0x3FC9];
	(tm) =	ssettm $0x1  }
0x91: {  	s18 =	sld [smem:$0x3FFB];
	_ =	sdelay $0x3  }
0x92: {  	_ =	strace s18  }
0x93: {  	s3 =	sld [smem:$0x3FFC];
	_ =	sdelay $0x3  }
0x94: {  	_ =	strace s3  }
0x95: {  	s3 =	sld [smem:$0x3FFD];
	_ =	sdelay $0x3  }
0x96: {  	_ =	strace s3  }
0x97: {  	_ =	strace $0x8FFFFFFF  }
0x98: {  	s19 =	sld [smem:$0x3FDB];
	_ =	sdelay $0x1  }
0x99: {  	s4 =	simm.s32 $_scs_section_size  }
0x9a: {  	s5 =	simm.s32 $_size__tile_overlayer_lowered;
	s6 =	simm.s32 $_tile_overlayer_lowered  }
0x9b: {  	s22 =	simm.s32 $0x1BFF;
	s21 =	sshll.u32 s6, $0x1;
	s3 =	sadd.s32 s4, s19  }
0x9c: {  	s7 =	simm.s32 $0x0;
	s20 =	sshll.u32 s5, $0x1;
	s5 =	sadd.s32 s21, s3  }
0x9d: {  	[timem:s7], [sflag:s22] =	dma.local [hbm:s5], s20  }
0x9e: {  	_ =	swait.ge [sflag:s22], s20  }
0x9f: {  	s4 =	ssub.s32 $0x0, s20;
	[sflag:s22] =	ssyncset.done $0x0  }
0xa0: {  	[sflag:s22] =	ssyncadd.s32 s4;
	_ =	sdelay $0x1  }
0xa1: {  	s23 =	simm.s32 $0x1B8B  }
0xa2: {  	_ =	swait.ge [sflag:s23], $0x1  }
0xa3: {  	[sflag:s23] =	ssyncset.done $0x0  }
0xa4: {  	s25 =	simm.s32 $0x1B8E;
	s24 =	sld [smem:$0x3FFE];
	[sflag:s23] =	ssyncadd.s32 $0xFFFFFFFF  }
0xa5: {  	s26 =	simm.s32 $execute0_lowered;
	[smem:$0x3FD2] =	sst s25  }
0xa6: {  	s5 =	sshll.u32 s26, $0x1;
	_ =	strace $0x80000046;
	[dreg:$0x1] =	wrdreg $0xFFFFFFFF  }
0xa7: {  	s28 =	simm.s32 $_size_execute0_lowered;
	s3 =	sadd.s32 s3, s5;
	[dreg:$0x0] =	wrdreg $0x0  }
0xa8: {  	s5 =	sshll.u32 s28, $0x1;
	[dreg:$0x2] =	wrdreg s3  }
0xa9: {  	[dreg:$0x3] =	wrdreg s5  }
0xaa: {  	[dreg:$0x4] =	wrdreg $0xC0  }
0xab: {  	_ =	task [dreg:s7], $0x5FFFF  }
0xac: {  	[dreg:$0x1] =	wrdreg $0xFFFFFFFF  }
0xad: {  	[dreg:$0x0] =	wrdreg $0x60  }
0xae: {  	[dreg:$0x2] =	wrdreg s2  }
0xaf: {  	[dreg:$0x3] =	wrdreg s24  }
0xb0: {  	[dreg:$0x4] =	wrdreg $0xA  }
0xb1: {  	_ =	task.clear_ibuf [dreg:s7], $0x5FFFF;
	_ =	strace $0x90000046  }
0xb2: {  	s29 =	simm.s32 $0xA;
	_ =	strace $0x80000048  }
0xb3: {  	_ =	swait.ge [sflag:s29], $0x1  }
0xb4: {  	[sflag:s29] =	ssyncadd.s32 $0xFFFFFFFF  }
0xb5: {  	_ =	strace $0x90000048  }
0xb6: {  	_ =	sfence  }
0xb7: {  	s30 =	sld [smem:$0x0];
	_ =	sdelay $0x2  }
0xb8: {  	s31 =	sshll.u32 s1, $0xD;
	s1 =	sshrl.u32 s1, $0x2  }
0xb9: {  	s3 =	sand.u32 $0x4000, s31;
	s1 =	sadd.s32 s1, s30  }
0xba: {  	s0 =	sor.u32 s3, s0;
	s1 =	sshll.u32 s1, $0x11  }
0xbb: {  	s0 =	sor.u32 s1, s0  }
0xbc: {  	s0 =	sadd.s32 $0x8F2B, s0  }
0xbd: {  	[sflag:s0] =	ssyncadd.remote.s32 $0x1  }
0xbe: {  	_ =	sfence.sel $0xFFFF  }
0xbf: {  	[dreg:$0x0] =	wrdreg $0xFFFFFFFF;
	(pc) =	sbr.abs _section_cstart, $3  }
0xc0: {  	[dreg:$0x1] =	wrdreg $0xFFFFFFFF  }
0xc1: {  	_ =	task.clear_ibuf [dreg:s7], $0x2FFFF;
	_ =	strace $0x9FFFFFFF  }
0xc2: {  	(tm) =	ssettm $0x7FFFFFFF  }
0xc3: {  	_ =	shalt  }
tec
execute0_lowered:
.L_overlay_start_1:
0x0: {  	(tag) =	ssettag $0x1  }
0x1: {  	s2 =	rddreg [dreg:$0x0]  }
0x2: {  	s0 =	rddreg [dreg:$0x1];
	s1 =	srdreg.scid  }
0x3: {  	s10 =	stileid.u32;
	s3 =	simm.s32 $0x0;
	s11 =	simm.s32 $0x50  }
0x4: {  	s12 =	simm.s32 $0x400;
	s13 =	simm.s32 $0x2C00;
	s14 =	simm.s32 $0xA0  }
0x5: {  	s15 =	simm.s32 $0x5400;
	s16 =	simm.s32 $0xF0;
	s17 =	simm.s32 $0x7C00  }
0x6: {  	s18 =	simm.s32 $0x140;
	s25 =	simm.s32 $0x250;
	s26 =	simm.s32 $0xF400  }
0x7: {  	s31 =	simm.s32 $0x2A0;
	s28 =	simm.s32 $0x1;
	s29 =	simm.s32 $0x2  }
0x8: {  	s30 =	simm.s32 $0x0;
	s1 =	sand.u32 $0x1, s1;
	s9 =	smul.u32 $0x4E20, s10  }
0x9: {  	s4 =	sshll.u32 s10, $0x1;
	[smem:$0x7FF] =	sst s3;
	s20 =	smul.u32 $0x4E200, s10  }
0xa: {  	s10 =	simm.s32 $0x3;
	s5 =	sor.u32 s1, s4;
	_ =	strace $0x80000047  }
0xb: {  	s4 =	sadd.s32 $0x3600, s0;
	s19 =	smul.u32 $0x2710, s1;
	[dreg:$0x4] =	wrdreg s25  }
0xc: {  	s7 =	ssub.s32 $0x2, s1;
	s1 =	smul.u32 $0x27100, s1;
	[dreg:$0x5] =	wrdreg s26  }
0xd: {  	s0 =	sadd.s32 $0xD400, s0;
	[dreg:$0x6] =	wrdreg s31;
	s6 =	smul.u32 $0x2710, s5  }
0xe: {  	s25 =	simm.s32 $0x340;
	s5 =	smul.u32 $0x138800, s5;
	s8 =	sshrl.u32 s7, $0x1  }
0xf: {  	s26 =	simm.s32 $0x16C00;
	s7 =	ssub.s32 s7, s8;
	s8 =	sadd.s32 s19, s9  }
0x10: {  	s19 =	simm.s32 $0xA400;
	s6 =	sshrl.u32 s6, $0x3;
	s5 =	sshrl.u32 s5, $0x3  }
0x11: {  	s21 =	sadd.s32 $0x190, s8;
	s22 =	smax.u32 s7, $0x1;
	s24 =	sadd.s32 $0x320, s8  }
0x12: {  	s6 =	sadd.s32 s4, s6;
	s5 =	sadd.s32 s0, s5;
	[dreg:$0x9] =	wrdreg s22  }
0x13: {  	s0 =	sadd.s32 s20, s0;
	s23 =	sshrl.u32 s21, $0x3;
	[dreg:$0xa] =	wrdreg s24  }
0x14: {  	s20 =	simm.s32 $0x200;
	s21 =	simm.s32 $0xCC00;
	s22 =	simm.s32 $0x11C00  }
0x15: {  	s24 =	simm.s32 $0x14400;
	[dreg:$0x7] =	wrdreg s6;
	s5 =	sadd.s32 $0x25800, s5  }
0x16: {  	s0 =	sadd.s32 s1, s0;
	s1 =	sadd.s32 s23, s4;
	[dreg:$0x8] =	wrdreg s5  }
0x17: {  	s23 =	simm.s32 $0x2F0;
	s0 =	sadd.s32 $0x1900, s0;
	[dreg:$0x3] =	wrdreg s1  }
.LBB2_1:
0x18: {  	s1 =	rddreg [dreg:$0x7]  }
0x19: {  	[tilespmem:s3], [sflag:$0x3] =	stream.linear.gather [hbm4b:s1+s3], $0x190, $0x38;
	[tilespmem:$0x19400] =	vst v63  }
0x1a: {  	_ =	swait.ge [sflag:s10], $0x190  }
0x1b: {  	[sflag:s10] =	ssyncset.done $0x0  }
0x1c: {  	[sflag:s10] =	ssyncadd.s32 $0xFFFFFE70  }
0x1d: {  	[tilespmem:s12], [sflag:$0x1] =	stream.indirect.gather [hbm4b:s2+s11], $0x80, s3, s11, $0xb8;
	[tilespmem:$0x19400] =	vst v63  }
0x1e: {  	_ = 	snop  }
0x1f: {  	[tilespmem:s13], [sflag:$0x1] =	stream.indirect.gather [hbm4b:s2+s11], $0x80, s11, s11, $0xb8;
	[tilespmem:$0x19400] =	vst v63  }
0x20: {  	_ = 	snop  }
0x21: {  	[tilespmem:s15], [sflag:$0x1] =	stream.indirect.gather [hbm4b:s2+s11], $0x80, s14, s11, $0xb8;
	[tilespmem:$0x19400] =	vst v63  }
0x22: {  	_ = 	snop  }
0x23: {  	[tilespmem:s17], [sflag:$0x1] =	stream.indirect.gather [hbm4b:s2+s11], $0x80, s16, s11, $0xb8;
	[tilespmem:$0x19400] =	vst v63  }
0x24: {  	s6 =	rddreg [dreg:$0x3]  }
0x25: {  	[tilespmem:s19], [sflag:$0x1] =	stream.indirect.gather [hbm4b:s2+s11], $0x80, s18, s11, $0xb8;
	[tilespmem:$0x19400] =	vst v63  }
0x26: {  	s1 =	sadd.s32 $0x0, s6  }
0x27: {  	[tilespmem:s20], [sflag:$0x3] =	stream.linear.gather [hbm4b:s1+s3], $0x190, $0x38;
	[tilespmem:$0x19400] =	vst v63  }
0x28: {  	_ =	swait.ge [sflag:s10], $0x190  }
0x29: {  	[sflag:s10] =	ssyncset.done $0x0  }
0x2a: {  	s7 =	rddreg [dreg:$0x5];
	[sflag:s10] =	ssyncadd.s32 $0xFFFFFE70  }
0x2b: {  	[tilespmem:s21], [sflag:$0x2] =	stream.indirect.gather [hbm4b:s2+s11], $0x80, s20, s11, $0xb8;
	[tilespmem:$0x19400] =	vst v63  }
0x2c: {  	s5 =	rddreg [dreg:$0x4]  }
0x2d: {  	[tilespmem:s7], [sflag:$0x2] =	stream.indirect.gather [hbm4b:s2+s11], $0x80, s5, s11, $0xb8;
	[tilespmem:$0x19400] =	vst v63  }
0x2e: {  	s6 =	rddreg [dreg:$0x6]  }
0x2f: {  	[tilespmem:s22], [sflag:$0x2] =	stream.indirect.gather [hbm4b:s2+s11], $0x80, s6, s11, $0xb8;
	[tilespmem:$0x19400] =	vst v63  }
0x30: {  	_ = 	snop  }
0x31: {  	[tilespmem:s24], [sflag:$0x2] =	stream.indirect.gather [hbm4b:s2+s11], $0x80, s23, s11, $0xb8;
	[tilespmem:$0x19400] =	vst v63  }
0x32: {  	_ = 	snop  }
0x33: {  	[tilespmem:s26], [sflag:$0x2] =	stream.indirect.gather [hbm4b:s2+s11], $0x80, s25, s11, $0xb8;
	[tilespmem:$0x19400] =	vst v63  }
0x34: {  	_ =	swait.ge [sflag:s28], $0xC800  }
0x35: {  	[sflag:s28] =	ssyncset.done $0x0  }
0x36: {  	s8 =	sadd.s32 $0xFFFFE700, s0;
	[sflag:s28] =	ssyncadd.s32 $0xFFFF3800  }
0x37: {  	[hbm4b:s8+s3] =	stream.linear.scatter [tilespmem:s12], [sflag:$0x3], $0xC800, $0x38;
	[tilespmem:$0x19400] =	vst v63  }
0x38: {  	_ =	swait.ge [sflag:s10], $0xC800  }
0x39: {  	s31 =	rddreg [dreg:$0xa]  }
0x3a: {  	[sflag:s10] =	ssyncset.done $0x0;
	s9 =	sshrl.u32 s31, $0x3  }
0x3b: {  	[sflag:s10] =	ssyncadd.s32 $0xFFFF3800;
	s1 =	sadd.s32 s4, s9  }
0x3c: {  	[tilespmem:s3], [sflag:$0x3] =	stream.linear.gather [hbm4b:s1+s3], $0x190, $0x38;
	[tilespmem:$0x19400] =	vst v63  }
0x3d: {  	_ =	swait.ge [sflag:s10], $0x190  }
0x3e: {  	[sflag:s10] =	ssyncset.done $0x0  }
0x3f: {  	[sflag:s10] =	ssyncadd.s32 $0xFFFFFE70  }
0x40: {  	[tilespmem:s12], [sflag:$0x1] =	stream.indirect.gather [hbm4b:s2+s11], $0x80, s3, s11, $0xb8;
	[tilespmem:$0x19400] =	vst v63  }
0x41: {  	_ = 	snop  }
0x42: {  	[tilespmem:s13], [sflag:$0x1] =	stream.indirect.gather [hbm4b:s2+s11], $0x80, s11, s11, $0xb8;
	[tilespmem:$0x19400] =	vst v63  }
0x43: {  	_ = 	snop  }
0x44: {  	[tilespmem:s15], [sflag:$0x1] =	stream.indirect.gather [hbm4b:s2+s11], $0x80, s14, s11, $0xb8;
	[tilespmem:$0x19400] =	vst v63  }
0x45: {  	_ = 	snop  }
0x46: {  	[tilespmem:s17], [sflag:$0x1] =	stream.indirect.gather [hbm4b:s2+s11], $0x80, s16, s11, $0xb8;
	[tilespmem:$0x19400] =	vst v63  }
0x47: {  	_ = 	snop  }
0x48: {  	[tilespmem:s19], [sflag:$0x1] =	stream.indirect.gather [hbm4b:s2+s11], $0x80, s18, s11, $0xb8;
	[tilespmem:$0x19400] =	vst v63  }
0x49: {  	_ =	swait.ge [sflag:s29], $0xC800  }
0x4a: {  	[sflag:s29] =	ssyncset.done $0x0  }
0x4b: {  	[sflag:s29] =	ssyncadd.s32 $0xFFFF3800  }
0x4c: {  	[hbm4b:s0+s3] =	stream.linear.scatter [tilespmem:s21], [sflag:$0x3], $0xC800, $0x38;
	[tilespmem:$0x19400] =	vst v63  }
0x4d: {  	s5 =	simm.s32 $0xC8;
	s9 =	smov.u32 s0;
	_ =	swait.ge [sflag:s10], $0xC800  }
0x4e: {  	s1 =	simm.s32 $0x64;
	s6 =	rddreg [dreg:$0x3];
	[sflag:s10] =	ssyncset.done $0x0  }
.LBB2_2:
0x4f: {  	[sflag:s10] =	ssyncadd.s32 $0xFFFF3800;
	s6 =	sadd.s32 s1, s6  }
0x50: {  	[tilespmem:s20], [sflag:$0x3] =	stream.linear.gather [hbm4b:s6+s3], $0x190, $0x38;
	[tilespmem:$0x19400] =	vst v63  }
0x51: {  	_ =	swait.ge [sflag:s10], $0x190  }
0x52: {  	[sflag:s10] =	ssyncset.done $0x0  }
0x53: {  	s7 =	smov.u32 s5;
	s6 =	rddreg [dreg:$0x5];
	[sflag:s10] =	ssyncadd.s32 $0xFFFFFE70  }
0x54: {  	[tilespmem:s21], [sflag:$0x2] =	stream.indirect.gather [hbm4b:s2+s11], $0x80, s20, s11, $0xb8;
	[tilespmem:$0x19400] =	vst v63  }
0x55: {  	s1 =	smov.u32 s7;
	s7 =	rddreg [dreg:$0x4]  }
0x56: {  	[tilespmem:s6], [sflag:$0x2] =	stream.indirect.gather [hbm4b:s2+s11], $0x80, s7, s11, $0xb8;
	[tilespmem:$0x19400] =	vst v63  }
0x57: {  	s8 =	rddreg [dreg:$0x6]  }
0x58: {  	[tilespmem:s22], [sflag:$0x2] =	stream.indirect.gather [hbm4b:s2+s11], $0x80, s8, s11, $0xb8;
	[tilespmem:$0x19400] =	vst v63  }
0x59: {  	_ = 	snop  }
0x5a: {  	[tilespmem:s24], [sflag:$0x2] =	stream.indirect.gather [hbm4b:s2+s11], $0x80, s23, s11, $0xb8;
	[tilespmem:$0x19400] =	vst v63  }
0x5b: {  	_ = 	snop  }
0x5c: {  	[tilespmem:s26], [sflag:$0x2] =	stream.indirect.gather [hbm4b:s2+s11], $0x80, s25, s11, $0xb8;
	[tilespmem:$0x19400] =	vst v63  }
0x5d: {  	_ =	swait.ge [sflag:s28], $0xC800  }
0x5e: {  	s9 =	sadd.s32 $0x3200, s9;
	[sflag:s28] =	ssyncset.done $0x0  }
0x5f: {  	s7 =	sadd.s32 $0xFFFFE700, s9;
	[sflag:s28] =	ssyncadd.s32 $0xFFFF3800  }
0x60: {  	[hbm4b:s7+s3] =	stream.linear.scatter [tilespmem:s12], [sflag:$0x3], $0xC800, $0x38;
	[tilespmem:$0x19400] =	vst v63  }
0x61: {  	s31 =	sadd.s32 $0x320, s31;
	_ =	swait.ge [sflag:s10], $0xC800  }
0x62: {  	s8 =	sshrl.u32 s31, $0x3;
	[sflag:s10] =	ssyncset.done $0x0  }
0x63: {  	s6 =	sadd.s32 s4, s8;
	[sflag:s10] =	ssyncadd.s32 $0xFFFF3800  }
0x64: {  	[tilespmem:s3], [sflag:$0x3] =	stream.linear.gather [hbm4b:s6+s3], $0x190, $0x38;
	[tilespmem:$0x19400] =	vst v63  }
0x65: {  	_ =	swait.ge [sflag:s10], $0x190  }
0x66: {  	[sflag:s10] =	ssyncset.done $0x0  }
0x67: {  	[sflag:s10] =	ssyncadd.s32 $0xFFFFFE70  }
0x68: {  	[tilespmem:s12], [sflag:$0x1] =	stream.indirect.gather [hbm4b:s2+s11], $0x80, s3, s11, $0xb8;
	[tilespmem:$0x19400] =	vst v63  }
0x69: {  	_ = 	snop  }
0x6a: {  	[tilespmem:s13], [sflag:$0x1] =	stream.indirect.gather [hbm4b:s2+s11], $0x80, s11, s11, $0xb8;
	[tilespmem:$0x19400] =	vst v63  }
0x6b: {  	_ = 	snop  }
0x6c: {  	[tilespmem:s15], [sflag:$0x1] =	stream.indirect.gather [hbm4b:s2+s11], $0x80, s14, s11, $0xb8;
	[tilespmem:$0x19400] =	vst v63  }
0x6d: {  	_ = 	snop  }
0x6e: {  	[tilespmem:s17], [sflag:$0x1] =	stream.indirect.gather [hbm4b:s2+s11], $0x80, s16, s11, $0xb8;
	[tilespmem:$0x19400] =	vst v63  }
0x6f: {  	_ = 	snop  }
0x70: {  	[tilespmem:s19], [sflag:$0x1] =	stream.indirect.gather [hbm4b:s2+s11], $0x80, s18, s11, $0xb8;
	[tilespmem:$0x19400] =	vst v63  }
0x71: {  	p0 =	sne.s32 s5, $0x44C;
	_ =	swait.ge [sflag:s29], $0xC800  }
.Ltmp0:
0x72: {  	[sflag:s29] =	ssyncset.done $0x0;
	(pc) =	sbr.rel @p0 .LBB2_2-.Ltmp0, $4  }
0x73: {  	[sflag:s29] =	ssyncadd.s32 $0xFFFF3800  }
0x74: {  	[hbm4b:s9+s3] =	stream.linear.scatter [tilespmem:s21], [sflag:$0x3], $0xC800, $0x38;
	[tilespmem:$0x19400] =	vst v63  }
0x75: {  	_ =	swait.ge [sflag:s10], $0xC800  }
0x76: {  	s5 =	sadd.s32 $0x64, s5;
	s6 =	rddreg [dreg:$0x3];
	[sflag:s10] =	ssyncset.done $0x0  }
0x77: {  	[sflag:s10] =	ssyncadd.s32 $0xFFFF3800;
	s1 =	sadd.s32 s1, s6  }
0x78: {  	[tilespmem:s20], [sflag:$0x3] =	stream.linear.gather [hbm4b:s1+s3], $0x190, $0x38;
	[tilespmem:$0x19400] =	vst v63  }
0x79: {  	_ =	swait.ge [sflag:s10], $0x190  }
0x7a: {  	[sflag:s10] =	ssyncset.done $0x0  }
0x7b: {  	s7 =	rddreg [dreg:$0x5];
	[sflag:s10] =	ssyncadd.s32 $0xFFFFFE70  }
0x7c: {  	[tilespmem:s21], [sflag:$0x2] =	stream.indirect.gather [hbm4b:s2+s11], $0x80, s20, s11, $0xb8;
	[tilespmem:$0x19400] =	vst v63  }
0x7d: {  	s5 =	rddreg [dreg:$0x4]  }
0x7e: {  	[tilespmem:s7], [sflag:$0x2] =	stream.indirect.gather [hbm4b:s2+s11], $0x80, s5, s11, $0xb8;
	[tilespmem:$0x19400] =	vst v63  }
0x7f: {  	s8 =	rddreg [dreg:$0x6]  }
0x80: {  	[tilespmem:s22], [sflag:$0x2] =	stream.indirect.gather [hbm4b:s2+s11], $0x80, s8, s11, $0xb8;
	[tilespmem:$0x19400] =	vst v63  }
0x81: {  	_ = 	snop  }
0x82: {  	[tilespmem:s24], [sflag:$0x2] =	stream.indirect.gather [hbm4b:s2+s11], $0x80, s23, s11, $0xb8;
	[tilespmem:$0x19400] =	vst v63  }
0x83: {  	_ = 	snop  }
0x84: {  	[tilespmem:s26], [sflag:$0x2] =	stream.indirect.gather [hbm4b:s2+s11], $0x80, s25, s11, $0xb8;
	[tilespmem:$0x19400] =	vst v63  }
0x85: {  	_ =	swait.ge [sflag:s28], $0xC800  }
0x86: {  	s6 =	sadd.s32 $0x3200, s9;
	[sflag:s28] =	ssyncset.done $0x0  }
0x87: {  	s7 =	sadd.s32 $0xFFFFE700, s6;
	[sflag:s28] =	ssyncadd.s32 $0xFFFF3800  }
0x88: {  	[hbm4b:s7+s3] =	stream.linear.scatter [tilespmem:s12], [sflag:$0x3], $0xC800, $0x38;
	[tilespmem:$0x19400] =	vst v63  }
0x89: {  	s8 =	sadd.s32 $0x320, s31;
	_ =	swait.ge [sflag:s10], $0xC800  }
0x8a: {  	s5 =	sshrl.u32 s8, $0x3;
	[sflag:s10] =	ssyncset.done $0x0  }
0x8b: {  	s5 =	sadd.s32 s4, s5;
	[sflag:s10] =	ssyncadd.s32 $0xFFFF3800  }
0x8c: {  	[tilespmem:s3], [sflag:$0x3] =	stream.linear.gather [hbm4b:s5+s3], $0x190, $0x38;
	[tilespmem:$0x19400] =	vst v63  }
0x8d: {  	_ =	swait.ge [sflag:s10], $0x190  }
0x8e: {  	[sflag:s10] =	ssyncset.done $0x0  }
0x8f: {  	[sflag:s10] =	ssyncadd.s32 $0xFFFFFE70  }
0x90: {  	[tilespmem:s12], [sflag:$0x1] =	stream.indirect.gather [hbm4b:s2+s11], $0x80, s3, s11, $0xb8;
	[tilespmem:$0x19400] =	vst v63  }
0x91: {  	_ = 	snop  }
0x92: {  	[tilespmem:s13], [sflag:$0x1] =	stream.indirect.gather [hbm4b:s2+s11], $0x80, s11, s11, $0xb8;
	[tilespmem:$0x19400] =	vst v63  }
0x93: {  	_ = 	snop  }
0x94: {  	[tilespmem:s15], [sflag:$0x1] =	stream.indirect.gather [hbm4b:s2+s11], $0x80, s14, s11, $0xb8;
	[tilespmem:$0x19400] =	vst v63  }
0x95: {  	_ = 	snop  }
0x96: {  	[tilespmem:s17], [sflag:$0x1] =	stream.indirect.gather [hbm4b:s2+s11], $0x80, s16, s11, $0xb8;
	[tilespmem:$0x19400] =	vst v63  }
0x97: {  	_ = 	snop  }
0x98: {  	[tilespmem:s19], [sflag:$0x1] =	stream.indirect.gather [hbm4b:s2+s11], $0x80, s18, s11, $0xb8;
	[tilespmem:$0x19400] =	vst v63  }
0x99: {  	_ =	swait.ge [sflag:s29], $0xC800  }
0x9a: {  	[sflag:s29] =	ssyncset.done $0x0  }
0x9b: {  	[sflag:s29] =	ssyncadd.s32 $0xFFFF3800  }
0x9c: {  	[hbm4b:s6+s3] =	stream.linear.scatter [tilespmem:s21], [sflag:$0x3], $0xC800, $0x38;
	[tilespmem:$0x19400] =	vst v63  }
0x9d: {  	_ =	swait.ge [sflag:s10], $0xC800  }
0x9e: {  	[sflag:s10] =	ssyncset.done $0x0  }
0x9f: {  	[sflag:s10] =	ssyncadd.s32 $0xFFFF3800  }
0xa0: {  	_ =	swait.ge [sflag:s28], $0xC800  }
0xa1: {  	[sflag:s28] =	ssyncset.done $0x0  }
0xa2: {  	s9 =	rddreg [dreg:$0x8];
	[sflag:s28] =	ssyncadd.s32 $0xFFFF3800  }
0xa3: {  	[hbm4b:s9+s3] =	stream.linear.scatter [tilespmem:s12], [sflag:$0x3], $0xC800, $0x38;
	[tilespmem:$0x19400] =	vst v63  }
0xa4: {  	_ =	swait.ge [sflag:s10], $0xC800  }
0xa5: {  	s30 =	sadd.s32 $0x1, s30;
	s31 =	rddreg [dreg:$0x9]  }
0xa6: {  	p0 =	sne.s32 s30, s31  }
.Ltmp1:
0xa7: {  	_ = 	snop;
	(pc) =	sbr.rel @p0 .LBB2_1-.Ltmp1, $3  }
0xa8: {  	_ =	sdelay $0x1  }
0xa9: {  	[sflag:s10] =	ssyncset.done $0x0  }
0xaa: {  	[sflag:s10] =	ssyncadd.s32 $0xFFFF3800  }
0xab: {  	_ =	sfence.sel $0x180000  }
0xac: {  	[bflag:$0x0] =	sbarrier.arrive $0xFFFF  }
0xad: {  	_ =	strace $0x90000047  }
0xae: {  	s0 =	stileid.u32;
	[bflag:$0x2] =	sbarrier.arrive $0xFFFF  }
0xaf: {  	p0 =	sne.s32 s0, $0x0;
	s0 =	rddreg [dreg:$0x2]  }
0xb0: {  	s0 =	sadd.s32 @!p0 $0x100000, s0  }
0xb1: {  	[sflag:s0] =	ssyncadd.tile.s32 @!p0 $0x1;
	_ =	shalt  }
.Lfunc_end2:
_tile_overlayer_lowered:
.L_overlay_start_2:
0xb2: {  	(tag) =	ssettag $0x2  }
0xb3: {  	s0 =	rddreg [dreg:$0x0];
	s2 =	stileid.u32  }
0xb4: {  	s1 =	rddreg [dreg:$0x1];
	p0 =	sne.s32 s2, $0x0  }
0xb5: {  	s3 =	rddreg [dreg:$0x2];
	[bflag:$0x3] =	sbarrier.arrive $0xFFFF;
	s2 =	simm.s32 @!p0 $0x1C03  }
0xb6: {  	[timem:s3], [sflag:s2] =	dma.local @!p0 [hbm:s0], s1  }
0xb7: {  	s0 =	simm.s32 @!p0 $0x3  }
0xb8: {  	_ =	swait.ge @!p0 [sflag:s0], s1  }
0xb9: {  	s1 =	ssub.s32 @!p0 $0x0, s1;
	[sflag:s0] =	ssyncset.done @!p0 $0x0  }
0xba: {  	[sflag:s0] =	ssyncadd.s32 @!p0 s1  }
0xbb: {  	[bflag:$0x3] =	sbarrier.arrive $0xFFFF  }
0xbc: {  	_ =	shalt  }

</sc_bundles>
